<compile_context>
chip_gen: v7x
topology: tpu7x:2x2x1
jax: 0.10.2.dev20260603
libtpu: 0.0.44.dev20260713+nightly
codegen_flags: <defaults>
</compile_context>

<pallas_src>
import functools

import jax
import jax.numpy as jnp
from jax import lax
from jax.experimental import pallas as pl
from jax.experimental.pallas import tpu as pltpu
from jax.experimental.pallas import tpu_sc as plsc

_NC, _NS = 2, 16
_NW = _NC * _NS
_B = 16384
_D = 16
_BPW = _B // _NW
_BLK = 32
_NBLK = _BPW // _BLK


def _build_gather():
    mesh = plsc.VectorSubcoreMesh(core_axis_name="c", subcore_axis_name="s")

    @functools.partial(
        pl.kernel,
        mesh=mesh,
        out_type=jax.ShapeDtypeStruct((_D, _B), jnp.float32),
        scratch_types=[
            pltpu.VMEM((_BPW // 128, 128), jnp.int32),
            pltpu.VMEM((_D, _BPW), jnp.float32),
        ]
        + [pltpu.VMEM((_D, 128), jnp.float32) for _ in range(_BLK)]
        + [pltpu.SemaphoreType.DMA],
        compiler_params=pltpu.CompilerParams(needs_layout_passes=False),
    )
    def gather_kernel(tableT_hbm, idx_hbm, outT_hbm, idx_v, cols_v, *rest):
        bufs = rest[:_BLK]
        sem = rest[_BLK]
        wid = lax.axis_index("s") * _NC + lax.axis_index("c")
        base = wid * _BPW
        pltpu.sync_copy(idx_hbm.at[pl.ds(wid * (_BPW // 128), _BPW // 128)], idx_v)
        lanes = lax.iota(jnp.int32, 16)

        def block(b, carry):
            m0 = b * _BLK
            vs = [
                idx_v[lax.div(m0 + g * 16, 128),
                      pl.ds(lax.rem(m0 + g * 16, 128), 16)]
                for g in range(_BLK // 16)
            ]
            cps = []
            for j in range(_BLK):
                i = vs[j // 16][j % 16]
                c0 = pl.multiple_of(lax.bitwise_and(i, jnp.int32(-128)), 128)
                cps.append(
                    pltpu.async_copy(
                        tableT_hbm.at[:, pl.ds(c0, 128)],
                        bufs[j],
                        sem,
                    )
                )
            for j in range(_BLK):
                cps[j].wait()
                i = vs[j // 16][j % 16]
                col = lax.bitwise_and(i, jnp.int32(127))
                vals = plsc.load_gather(
                    bufs[j], [lanes, jnp.full((16,), col, jnp.int32)]
                )
                plsc.store_scatter(
                    cols_v,
                    [lanes, jnp.full((16,), m0 + j, jnp.int32)],
                    vals,
                )
            return carry

        lax.fori_loop(0, _NBLK, block, 0)
        pltpu.sync_copy(cols_v, outT_hbm.at[:, pl.ds(base, _BPW)])

    return gather_kernel


_gather = _build_gather()


def kernel(meta_data, indices):
    idx = indices.astype(jnp.int32).reshape(_B // 128, 128)
    return _gather(meta_data.T, idx).T

# --- scband reference (transcript-rebuilt; emitter-appended) ---
"""Pipeline reference for scband-meta-data-distribution-81827716924171 (READ-ONLY COPY).

The authoritative reference and input builder live on the scoring server;
editing this copy changes nothing except your own understanding.
"""

import jax, jax.numpy as jnp
import numpy as np

NUM_ROWS = 1000000
META_DIM = 16
BATCH = 16384

def setup_inputs(seed: int = 0) -> dict:
    key = jax.random.key(seed)
    k1, k2 = jax.random.split(key)
    # Learned per-example meta-data table (nn.Parameter of shape [len(dataset), *meta_type]).
    # Original init_meta zeros it; we use randn so the gather produces nontrivial values.
    meta_data = jax.random.normal(k1, (NUM_ROWS, META_DIM), dtype=jnp.float32)
    # Indices drawn by the DataLoader's sampler for one batch.
    indices = jax.random.randint(k2, (BATCH,), 0, NUM_ROWS, dtype=jnp.int64)
    return {"meta_data": meta_data, "indices": indices}

def reference(meta_data, indices):
    # MetaDataDistribution.sample core op: meta_data[indices]
    # (the raw `data` batch comes from the dataset and carries no learned state;
    #  the learnable path is this embedding-style row gather)
    gathered = jnp.take(meta_data, indices, axis=0)
    return gathered

if __name__ == "__main__":
    import jax
    _d = setup_inputs()
    print(jax.jit(kernel)(*tuple(_d.values())))

</pallas_src>

<mosaic_0001>
#map = affine_map<(d0, d1) -> (0, 0)>
module attributes {stable_mosaic.version = 14 : i64} {
  func.func @gather_kernel(%arg0: i32, %arg1: i32, %arg2: memref<16x1000000xf32, #tpu.memory_space<hbm>>, %arg3: memref<128x128xi32, #tpu.memory_space<hbm>>, %arg4: memref<16x16384xf32, #tpu.memory_space<hbm>>, %arg5: memref<4x128xi32, #tpu.memory_space<vmem>>, %arg6: memref<16x512xf32, #tpu.memory_space<vmem>>, %arg7: memref<16x128xf32, #tpu.memory_space<vmem>>, %arg8: memref<16x128xf32, #tpu.memory_space<vmem>>, %arg9: memref<16x128xf32, #tpu.memory_space<vmem>>, %arg10: memref<16x128xf32, #tpu.memory_space<vmem>>, %arg11: memref<16x128xf32, #tpu.memory_space<vmem>>, %arg12: memref<16x128xf32, #tpu.memory_space<vmem>>, %arg13: memref<16x128xf32, #tpu.memory_space<vmem>>, %arg14: memref<16x128xf32, #tpu.memory_space<vmem>>, %arg15: memref<16x128xf32, #tpu.memory_space<vmem>>, %arg16: memref<16x128xf32, #tpu.memory_space<vmem>>, %arg17: memref<16x128xf32, #tpu.memory_space<vmem>>, %arg18: memref<16x128xf32, #tpu.memory_space<vmem>>, %arg19: memref<16x128xf32, #tpu.memory_space<vmem>>, %arg20: memref<16x128xf32, #tpu.memory_space<vmem>>, %arg21: memref<16x128xf32, #tpu.memory_space<vmem>>, %arg22: memref<16x128xf32, #tpu.memory_space<vmem>>, %arg23: memref<16x128xf32, #tpu.memory_space<vmem>>, %arg24: memref<16x128xf32, #tpu.memory_space<vmem>>, %arg25: memref<16x128xf32, #tpu.memory_space<vmem>>, %arg26: memref<16x128xf32, #tpu.memory_space<vmem>>, %arg27: memref<16x128xf32, #tpu.memory_space<vmem>>, %arg28: memref<16x128xf32, #tpu.memory_space<vmem>>, %arg29: memref<16x128xf32, #tpu.memory_space<vmem>>, %arg30: memref<16x128xf32, #tpu.memory_space<vmem>>, %arg31: memref<16x128xf32, #tpu.memory_space<vmem>>, %arg32: memref<16x128xf32, #tpu.memory_space<vmem>>, %arg33: memref<16x128xf32, #tpu.memory_space<vmem>>, %arg34: memref<16x128xf32, #tpu.memory_space<vmem>>, %arg35: memref<16x128xf32, #tpu.memory_space<vmem>>, %arg36: memref<16x128xf32, #tpu.memory_space<vmem>>, %arg37: memref<16x128xf32, #tpu.memory_space<vmem>>, %arg38: memref<16x128xf32, #tpu.memory_space<vmem>>, %arg39: memref<!tpu.dma_semaphore, #tpu.memory_space<semaphore_mem>>) attributes {dimension_semantics = [#tpu.dimension_semantics<core_parallel>, #tpu.dimension_semantics<subcore_parallel>], iteration_bounds = array<i64: 2, 16>, scalar_prefetch = 0 : i64, scratch_operands = 35 : i64, tpu.core_type = #tpu.core_type<sc_vector_subcore>, window_params = [{transform_indices = #map}, {transform_indices = #map}, {transform_indices = #map}]} {
    %mul3A = arith.constant 2 : i32
    %mul3A_0 = arith.muli %arg1, %mul3A : i32
    %add3A = arith.addi %mul3A_0, %arg0 : i32
    %mul3A_1 = arith.constant 512 : i32
    %mul3A_2 = arith.muli %add3A, %mul3A_1 : i32
    %mul3A_3 = arith.constant 4 : i32
    %mul3A_4 = arith.muli %add3A, %mul3A_3 : i32
    "tpu.region"() ({
      %run_scoped3A = tpu.sem_alloc : memref<!tpu.dma_semaphore, #tpu.memory_space<semaphore_mem>>
      %dma_start3A = arith.constant 0 : i32
      %dma_start3A_10 = tpu.memref_slice %arg3[%mul3A_4, %dma_start3A] : memref<128x128xi32, #tpu.memory_space<hbm>> -> memref<4x128xi32, #tpu.memory_space<hbm>>
      %dma_start3A_11 = arith.constant 0 : i32
      %dma_start3A_12 = tpu.memref_slice %arg3[%mul3A_4, %dma_start3A_11] : memref<128x128xi32, #tpu.memory_space<hbm>> -> memref<4x128xi32, #tpu.memory_space<hbm>>
      tpu.enqueue_dma source(%dma_start3A_12 : memref<4x128xi32, #tpu.memory_space<hbm>>) target(%arg5 : memref<4x128xi32, #tpu.memory_space<vmem>>) target_semaphore(%run_scoped3A : memref<!tpu.dma_semaphore, #tpu.memory_space<semaphore_mem>>)
      %dma_wait3A = arith.constant 0 : i32
      %dma_wait3A_13 = tpu.memref_slice %arg3[%mul3A_4, %dma_wait3A] : memref<128x128xi32, #tpu.memory_space<hbm>> -> memref<4x128xi32, #tpu.memory_space<hbm>>
      %dma_wait3A_14 = arith.constant 0 : i32
      %dma_wait3A_15 = tpu.memref_slice %arg3[%mul3A_4, %dma_wait3A_14] : memref<128x128xi32, #tpu.memory_space<hbm>> -> memref<4x128xi32, #tpu.memory_space<hbm>>
      tpu.wait_dma2 semaphore(%run_scoped3A : memref<!tpu.dma_semaphore, #tpu.memory_space<semaphore_mem>>) src(%dma_wait3A_15 : memref<4x128xi32, #tpu.memory_space<hbm>>) dst(%arg5 : memref<4x128xi32, #tpu.memory_space<vmem>>)
      tpu.yield
    }) : () -> ()
    %iota3A = tpu.iota {dimensions = array<i32: 0>} : vector<16xi32>
    %scan3A = arith.constant 0 : i32
    %scan3A_5 = arith.constant 0 : i32
    %scan3A_6 = arith.constant 16 : i32
    %scan3A_7 = arith.addi %scan3A_5, %scan3A_6 : i32
    %scan3A_8 = arith.constant 1 : i32
    scf.for %scan3A_10 = %scan3A_5 to %scan3A_7 step %scan3A_8  : i32 {
      %mul3A_11 = arith.constant 32 : i32
      %mul3A_12 = arith.muli %scan3A_10, %mul3A_11 : i32
      %add3A_13 = arith.constant 0 : i32
      %add3A_14 = arith.addi %mul3A_12, %add3A_13 : i32
      %div3A = arith.constant 128 : i32
      %div3A_15 = arith.divsi %add3A_14, %div3A : i32
      %add3A_16 = arith.constant 0 : i32
      %add3A_17 = arith.addi %mul3A_12, %add3A_16 : i32
      %rem3A = arith.constant 128 : i32
      %rem3A_18 = arith.remsi %add3A_17, %rem3A : i32
      %get3A = arith.index_cast %div3A_15 : i32 to index
      %get3A_19 = arith.index_cast %rem3A_18 : i32 to index
      %get3A_20 = tpu.vector_load %arg5[%get3A, %get3A_19] {strides = array<i32>} : memref<4x128xi32, #tpu.memory_space<vmem>>, vector<16xi32>,
      %add3A_21 = arith.constant 16 : i32
      %add3A_22 = arith.addi %mul3A_12, %add3A_21 : i32
      %div3A_23 = arith.constant 128 : i32
      %div3A_24 = arith.divsi %add3A_22, %div3A_23 : i32
      %add3A_25 = arith.constant 16 : i32
      %add3A_26 = arith.addi %mul3A_12, %add3A_25 : i32
      %rem3A_27 = arith.constant 128 : i32
      %rem3A_28 = arith.remsi %add3A_26, %rem3A_27 : i32
      %get3A_29 = arith.index_cast %div3A_24 : i32 to index
      %get3A_30 = arith.index_cast %rem3A_28 : i32 to index
      %get3A_31 = tpu.vector_load %arg5[%get3A_29, %get3A_30] {strides = array<i32>} : memref<4x128xi32, #tpu.memory_space<vmem>>, vector<16xi32>,
      %slice3A = vector.extract_strided_slice %get3A_20 {offsets = [0], sizes = [1], strides = [1]} : vector<16xi32> to vector<1xi32>
      %squeeze3A = vector.extract %slice3A[0] : i32 from vector<1xi32>
      %and3A = arith.constant -128 : i32
      %and3A_32 = arith.andi %squeeze3A, %and3A : i32
      %multiple_of3A = tpu.assume_multiple %and3A_32, 128 : i32
      %dma_start3A = arith.constant 0 : i32
      %dma_start3A_33 = tpu.memref_slice %arg2[%dma_start3A, %multiple_of3A] : memref<16x1000000xf32, #tpu.memory_space<hbm>> -> memref<16x128xf32, #tpu.memory_space<hbm>>
      %dma_start3A_34 = arith.constant 0 : i32
      %dma_start3A_35 = tpu.memref_slice %arg2[%dma_start3A_34, %multiple_of3A] : memref<16x1000000xf32, #tpu.memory_space<hbm>> -> memref<16x128xf32, #tpu.memory_space<hbm>>
      tpu.enqueue_dma source(%dma_start3A_35 : memref<16x128xf32, #tpu.memory_space<hbm>>) target(%arg7 : memref<16x128xf32, #tpu.memory_space<vmem>>) target_semaphore(%arg39 : memref<!tpu.dma_semaphore, #tpu.memory_space<semaphore_mem>>)
      %slice3A_36 = vector.extract_strided_slice %get3A_20 {offsets = [1], sizes = [1], strides = [1]} : vector<16xi32> to vector<1xi32>
      %squeeze3A_37 = vector.extract %slice3A_36[0] : i32 from vector<1xi32>
      %and3A_38 = arith.constant -128 : i32
      %and3A_39 = arith.andi %squeeze3A_37, %and3A_38 : i32
      %multiple_of3A_40 = tpu.assume_multiple %and3A_39, 128 : i32
      %dma_start3A_41 = arith.constant 0 : i32
      %dma_start3A_42 = tpu.memref_slice %arg2[%dma_start3A_41, %multiple_of3A_40] : memref<16x1000000xf32, #tpu.memory_space<hbm>> -> memref<16x128xf32, #tpu.memory_space<hbm>>
      %dma_start3A_43 = arith.constant 0 : i32
      %dma_start3A_44 = tpu.memref_slice %arg2[%dma_start3A_43, %multiple_of3A_40] : memref<16x1000000xf32, #tpu.memory_space<hbm>> -> memref<16x128xf32, #tpu.memory_space<hbm>>
      tpu.enqueue_dma source(%dma_start3A_44 : memref<16x128xf32, #tpu.memory_space<hbm>>) target(%arg8 : memref<16x128xf32, #tpu.memory_space<vmem>>) target_semaphore(%arg39 : memref<!tpu.dma_semaphore, #tpu.memory_space<semaphore_mem>>)
      %slice3A_45 = vector.extract_strided_slice %get3A_20 {offsets = [2], sizes = [1], strides = [1]} : vector<16xi32> to vector<1xi32>
      %squeeze3A_46 = vector.extract %slice3A_45[0] : i32 from vector<1xi32>
      %and3A_47 = arith.constant -128 : i32
      %and3A_48 = arith.andi %squeeze3A_46, %and3A_47 : i32
      %multiple_of3A_49 = tpu.assume_multiple %and3A_48, 128 : i32
      %dma_start3A_50 = arith.constant 0 : i32
      %dma_start3A_51 = tpu.memref_slice %arg2[%dma_start3A_50, %multiple_of3A_49] : memref<16x1000000xf32, #tpu.memory_space<hbm>> -> memref<16x128xf32, #tpu.memory_space<hbm>>
      %dma_start3A_52 = arith.constant 0 : i32
      %dma_start3A_53 = tpu.memref_slice %arg2[%dma_start3A_52, %multiple_of3A_49] : memref<16x1000000xf32, #tpu.memory_space<hbm>> -> memref<16x128xf32, #tpu.memory_space<hbm>>
      tpu.enqueue_dma source(%dma_start3A_53 : memref<16x128xf32, #tpu.memory_space<hbm>>) target(%arg9 : memref<16x128xf32, #tpu.memory_space<vmem>>) target_semaphore(%arg39 : memref<!tpu.dma_semaphore, #tpu.memory_space<semaphore_mem>>)
      %slice3A_54 = vector.extract_strided_slice %get3A_20 {offsets = [3], sizes = [1], strides = [1]} : vector<16xi32> to vector<1xi32>
      %squeeze3A_55 = vector.extract %slice3A_54[0] : i32 from vector<1xi32>
      %and3A_56 = arith.constant -128 : i32
      %and3A_57 = arith.andi %squeeze3A_55, %and3A_56 : i32
      %multiple_of3A_58 = tpu.assume_multiple %and3A_57, 128 : i32
      %dma_start3A_59 = arith.constant 0 : i32
      %dma_start3A_60 = tpu.memref_slice %arg2[%dma_start3A_59, %multiple_of3A_58] : memref<16x1000000xf32, #tpu.memory_space<hbm>> -> memref<16x128xf32, #tpu.memory_space<hbm>>
      %dma_start3A_61 = arith.constant 0 : i32
      %dma_start3A_62 = tpu.memref_slice %arg2[%dma_start3A_61, %multiple_of3A_58] : memref<16x1000000xf32, #tpu.memory_space<hbm>> -> memref<16x128xf32, #tpu.memory_space<hbm>>
      tpu.enqueue_dma source(%dma_start3A_62 : memref<16x128xf32, #tpu.memory_space<hbm>>) target(%arg10 : memref<16x128xf32, #tpu.memory_space<vmem>>) target_semaphore(%arg39 : memref<!tpu.dma_semaphore, #tpu.memory_space<semaphore_mem>>)
      %slice3A_63 = vector.extract_strided_slice %get3A_20 {offsets = [4], sizes = [1], strides = [1]} : vector<16xi32> to vector<1xi32>
      %squeeze3A_64 = vector.extract %slice3A_63[0] : i32 from vector<1xi32>
      %and3A_65 = arith.constant -128 : i32
      %and3A_66 = arith.andi %squeeze3A_64, %and3A_65 : i32
      %multiple_of3A_67 = tpu.assume_multiple %and3A_66, 128 : i32
      %dma_start3A_68 = arith.constant 0 : i32
      %dma_start3A_69 = tpu.memref_slice %arg2[%dma_start3A_68, %multiple_of3A_67] : memref<16x1000000xf32, #tpu.memory_space<hbm>> -> memref<16x128xf32, #tpu.memory_space<hbm>>
      %dma_start3A_70 = arith.constant 0 : i32
      %dma_start3A_71 = tpu.memref_slice %arg2[%dma_start3A_70, %multiple_of3A_67] : memref<16x1000000xf32, #tpu.memory_space<hbm>> -> memref<16x128xf32, #tpu.memory_space<hbm>>
      tpu.enqueue_dma source(%dma_start3A_71 : memref<16x128xf32, #tpu.memory_space<hbm>>) target(%arg11 : memref<16x128xf32, #tpu.memory_space<vmem>>) target_semaphore(%arg39 : memref<!tpu.dma_semaphore, #tpu.memory_space<semaphore_mem>>)
      %slice3A_72 = vector.extract_strided_slice %get3A_20 {offsets = [5], sizes = [1], strides = [1]} : vector<16xi32> to vector<1xi32>
      %squeeze3A_73 = vector.extract %slice3A_72[0] : i32 from vector<1xi32>
      %and3A_74 = arith.constant -128 : i32
      %and3A_75 = arith.andi %squeeze3A_73, %and3A_74 : i32
      %multiple_of3A_76 = tpu.assume_multiple %and3A_75, 128 : i32
      %dma_start3A_77 = arith.constant 0 : i32
      %dma_start3A_78 = tpu.memref_slice %arg2[%dma_start3A_77, %multiple_of3A_76] : memref<16x1000000xf32, #tpu.memory_space<hbm>> -> memref<16x128xf32, #tpu.memory_space<hbm>>
      %dma_start3A_79 = arith.constant 0 : i32
      %dma_start3A_80 = tpu.memref_slice %arg2[%dma_start3A_79, %multiple_of3A_76] : memref<16x1000000xf32, #tpu.memory_space<hbm>> -> memref<16x128xf32, #tpu.memory_space<hbm>>
      tpu.enqueue_dma source(%dma_start3A_80 : memref<16x128xf32, #tpu.memory_space<hbm>>) target(%arg12 : memref<16x128xf32, #tpu.memory_space<vmem>>) target_semaphore(%arg39 : memref<!tpu.dma_semaphore, #tpu.memory_space<semaphore_mem>>)
      %slice3A_81 = vector.extract_strided_slice %get3A_20 {offsets = [6], sizes = [1], strides = [1]} : vector<16xi32> to vector<1xi32>
      %squeeze3A_82 = vector.extract %slice3A_81[0] : i32 from vector<1xi32>
      %and3A_83 = arith.constant -128 : i32
      %and3A_84 = arith.andi %squeeze3A_82, %and3A_83 : i32
      %multiple_of3A_85 = tpu.assume_multiple %and3A_84, 128 : i32
      %dma_start3A_86 = arith.constant 0 : i32
      %dma_start3A_87 = tpu.memref_slice %arg2[%dma_start3A_86, %multiple_of3A_85] : memref<16x1000000xf32, #tpu.memory_space<hbm>> -> memref<16x128xf32, #tpu.memory_space<hbm>>
      %dma_start3A_88 = arith.constant 0 : i32
      %dma_start3A_89 = tpu.memref_slice %arg2[%dma_start3A_88, %multiple_of3A_85] : memref<16x1000000xf32, #tpu.memory_space<hbm>> -> memref<16x128xf32, #tpu.memory_space<hbm>>
      tpu.enqueue_dma source(%dma_start3A_89 : memref<16x128xf32, #tpu.memory_space<hbm>>) target(%arg13 : memref<16x128xf32, #tpu.memory_space<vmem>>) target_semaphore(%arg39 : memref<!tpu.dma_semaphore, #tpu.memory_space<semaphore_mem>>)
      %slice3A_90 = vector.extract_strided_slice %get3A_20 {offsets = [7], sizes = [1], strides = [1]} : vector<16xi32> to vector<1xi32>
      %squeeze3A_91 = vector.extract %slice3A_90[0] : i32 from vector<1xi32>
      %and3A_92 = arith.constant -128 : i32
      %and3A_93 = arith.andi %squeeze3A_91, %and3A_92 : i32
      %multiple_of3A_94 = tpu.assume_multiple %and3A_93, 128 : i32
      %dma_start3A_95 = arith.constant 0 : i32
      %dma_start3A_96 = tpu.memref_slice %arg2[%dma_start3A_95, %multiple_of3A_94] : memref<16x1000000xf32, #tpu.memory_space<hbm>> -> memref<16x128xf32, #tpu.memory_space<hbm>>
      %dma_start3A_97 = arith.constant 0 : i32
      %dma_start3A_98 = tpu.memref_slice %arg2[%dma_start3A_97, %multiple_of3A_94] : memref<16x1000000xf32, #tpu.memory_space<hbm>> -> memref<16x128xf32, #tpu.memory_space<hbm>>
      tpu.enqueue_dma source(%dma_start3A_98 : memref<16x128xf32, #tpu.memory_space<hbm>>) target(%arg14 : memref<16x128xf32, #tpu.memory_space<vmem>>) target_semaphore(%arg39 : memref<!tpu.dma_semaphore, #tpu.memory_space<semaphore_mem>>)
      %slice3A_99 = vector.extract_strided_slice %get3A_20 {offsets = [8], sizes = [1], strides = [1]} : vector<16xi32> to vector<1xi32>
      %squeeze3A_100 = vector.extract %slice3A_99[0] : i32 from vector<1xi32>
      %and3A_101 = arith.constant -128 : i32
      %and3A_102 = arith.andi %squeeze3A_100, %and3A_101 : i32
      %multiple_of3A_103 = tpu.assume_multiple %and3A_102, 128 : i32
      %dma_start3A_104 = arith.constant 0 : i32
      %dma_start3A_105 = tpu.memref_slice %arg2[%dma_start3A_104, %multiple_of3A_103] : memref<16x1000000xf32, #tpu.memory_space<hbm>> -> memref<16x128xf32, #tpu.memory_space<hbm>>
      %dma_start3A_106 = arith.constant 0 : i32
      %dma_start3A_107 = tpu.memref_slice %arg2[%dma_start3A_106, %multiple_of3A_103] : memref<16x1000000xf32, #tpu.memory_space<hbm>> -> memref<16x128xf32, #tpu.memory_space<hbm>>
      tpu.enqueue_dma source(%dma_start3A_107 : memref<16x128xf32, #tpu.memory_space<hbm>>) target(%arg15 : memref<16x128xf32, #tpu.memory_space<vmem>>) target_semaphore(%arg39 : memref<!tpu.dma_semaphore, #tpu.memory_space<semaphore_mem>>)
      %slice3A_108 = vector.extract_strided_slice %get3A_20 {offsets = [9], sizes = [1], strides = [1]} : vector<16xi32> to vector<1xi32>
      %squeeze3A_109 = vector.extract %slice3A_108[0] : i32 from vector<1xi32>
      %and3A_110 = arith.constant -128 : i32
      %and3A_111 = arith.andi %squeeze3A_109, %and3A_110 : i32
      %multiple_of3A_112 = tpu.assume_multiple %and3A_111, 128 : i32
      %dma_start3A_113 = arith.constant 0 : i32
      %dma_start3A_114 = tpu.memref_slice %arg2[%dma_start3A_113, %multiple_of3A_112] : memref<16x1000000xf32, #tpu.memory_space<hbm>> -> memref<16x128xf32, #tpu.memory_space<hbm>>
      %dma_start3A_115 = arith.constant 0 : i32
      %dma_start3A_116 = tpu.memref_slice %arg2[%dma_start3A_115, %multiple_of3A_112] : memref<16x1000000xf32, #tpu.memory_space<hbm>> -> memref<16x128xf32, #tpu.memory_space<hbm>>
      tpu.enqueue_dma source(%dma_start3A_116 : memref<16x128xf32, #tpu.memory_space<hbm>>) target(%arg16 : memref<16x128xf32, #tpu.memory_space<vmem>>) target_semaphore(%arg39 : memref<!tpu.dma_semaphore, #tpu.memory_space<semaphore_mem>>)
      %slice3A_117 = vector.extract_strided_slice %get3A_20 {offsets = [10], sizes = [1], strides = [1]} : vector<16xi32> to vector<1xi32>
      %squeeze3A_118 = vector.extract %slice3A_117[0] : i32 from vector<1xi32>
      %and3A_119 = arith.constant -128 : i32
      %and3A_120 = arith.andi %squeeze3A_118, %and3A_119 : i32
      %multiple_of3A_121 = tpu.assume_multiple %and3A_120, 128 : i32
      %dma_start3A_122 = arith.constant 0 : i32
      %dma_start3A_123 = tpu.memref_slice %arg2[%dma_start3A_122, %multiple_of3A_121] : memref<16x1000000xf32, #tpu.memory_space<hbm>> -> memref<16x128xf32, #tpu.memory_space<hbm>>
      %dma_start3A_124 = arith.constant 0 : i32
      %dma_start3A_125 = tpu.memref_slice %arg2[%dma_start3A_124, %multiple_of3A_121] : memref<16x1000000xf32, #tpu.memory_space<hbm>> -> memref<16x128xf32, #tpu.memory_space<hbm>>
      tpu.enqueue_dma source(%dma_start3A_125 : memref<16x128xf32, #tpu.memory_space<hbm>>) target(%arg17 : memref<16x128xf32, #tpu.memory_space<vmem>>) target_semaphore(%arg39 : memref<!tpu.dma_semaphore, #tpu.memory_space<semaphore_mem>>)
      %slice3A_126 = vector.extract_strided_slice %get3A_20 {offsets = [11], sizes = [1], strides = [1]} : vector<16xi32> to vector<1xi32>
      %squeeze3A_127 = vector.extract %slice3A_126[0] : i32 from vector<1xi32>
      %and3A_128 = arith.constant -128 : i32
      %and3A_129 = arith.andi %squeeze3A_127, %and3A_128 : i32
      %multiple_of3A_130 = tpu.assume_multiple %and3A_129, 128 : i32
      %dma_start3A_131 = arith.constant 0 : i32
      %dma_start3A_132 = tpu.memref_slice %arg2[%dma_start3A_131, %multiple_of3A_130] : memref<16x1000000xf32, #tpu.memory_space<hbm>> -> memref<16x128xf32, #tpu.memory_space<hbm>>
      %dma_start3A_133 = arith.constant 0 : i32
      %dma_start3A_134 = tpu.memref_slice %arg2[%dma_start3A_133, %multiple_of3A_130] : memref<16x1000000xf32, #tpu.memory_space<hbm>> -> memref<16x128xf32, #tpu.memory_space<hbm>>
      tpu.enqueue_dma source(%dma_start3A_134 : memref<16x128xf32, #tpu.memory_space<hbm>>) target(%arg18 : memref<16x128xf32, #tpu.memory_space<vmem>>) target_semaphore(%arg39 : memref<!tpu.dma_semaphore, #tpu.memory_space<semaphore_mem>>)
      %slice3A_135 = vector.extract_strided_slice %get3A_20 {offsets = [12], sizes = [1], strides = [1]} : vector<16xi32> to vector<1xi32>
      %squeeze3A_136 = vector.extract %slice3A_135[0] : i32 from vector<1xi32>
      %and3A_137 = arith.constant -128 : i32
      %and3A_138 = arith.andi %squeeze3A_136, %and3A_137 : i32
      %multiple_of3A_139 = tpu.assume_multiple %and3A_138, 128 : i32
      %dma_start3A_140 = arith.constant 0 : i32
      %dma_start3A_141 = tpu.memref_slice %arg2[%dma_start3A_140, %multiple_of3A_139] : memref<16x1000000xf32, #tpu.memory_space<hbm>> -> memref<16x128xf32, #tpu.memory_space<hbm>>
      %dma_start3A_142 = arith.constant 0 : i32
      %dma_start3A_143 = tpu.memref_slice %arg2[%dma_start3A_142, %multiple_of3A_139] : memref<16x1000000xf32, #tpu.memory_space<hbm>> -> memref<16x128xf32, #tpu.memory_space<hbm>>
      tpu.enqueue_dma source(%dma_start3A_143 : memref<16x128xf32, #tpu.memory_space<hbm>>) target(%arg19 : memref<16x128xf32, #tpu.memory_space<vmem>>) target_semaphore(%arg39 : memref<!tpu.dma_semaphore, #tpu.memory_space<semaphore_mem>>)
      %slice3A_144 = vector.extract_strided_slice %get3A_20 {offsets = [13], sizes = [1], strides = [1]} : vector<16xi32> to vector<1xi32>
      %squeeze3A_145 = vector.extract %slice3A_144[0] : i32 from vector<1xi32>
      %and3A_146 = arith.constant -128 : i32
      %and3A_147 = arith.andi %squeeze3A_145, %and3A_146 : i32
      %multiple_of3A_148 = tpu.assume_multiple %and3A_147, 128 : i32
      %dma_start3A_149 = arith.constant 0 : i32
      %dma_start3A_150 = tpu.memref_slice %arg2[%dma_start3A_149, %multiple_of3A_148] : memref<16x1000000xf32, #tpu.memory_space<hbm>> -> memref<16x128xf32, #tpu.memory_space<hbm>>
      %dma_start3A_151 = arith.constant 0 : i32
      %dma_start3A_152 = tpu.memref_slice %arg2[%dma_start3A_151, %multiple_of3A_148] : memref<16x1000000xf32, #tpu.memory_space<hbm>> -> memref<16x128xf32, #tpu.memory_space<hbm>>
      tpu.enqueue_dma source(%dma_start3A_152 : memref<16x128xf32, #tpu.memory_space<hbm>>) target(%arg20 : memref<16x128xf32, #tpu.memory_space<vmem>>) target_semaphore(%arg39 : memref<!tpu.dma_semaphore, #tpu.memory_space<semaphore_mem>>)
      %slice3A_153 = vector.extract_strided_slice %get3A_20 {offsets = [14], sizes = [1], strides = [1]} : vector<16xi32> to vector<1xi32>
      %squeeze3A_154 = vector.extract %slice3A_153[0] : i32 from vector<1xi32>
      %and3A_155 = arith.constant -128 : i32
      %and3A_156 = arith.andi %squeeze3A_154, %and3A_155 : i32
      %multiple_of3A_157 = tpu.assume_multiple %and3A_156, 128 : i32
      %dma_start3A_158 = arith.constant 0 : i32
      %dma_start3A_159 = tpu.memref_slice %arg2[%dma_start3A_158, %multiple_of3A_157] : memref<16x1000000xf32, #tpu.memory_space<hbm>> -> memref<16x128xf32, #tpu.memory_space<hbm>>
      %dma_start3A_160 = arith.constant 0 : i32
      %dma_start3A_161 = tpu.memref_slice %arg2[%dma_start3A_160, %multiple_of3A_157] : memref<16x1000000xf32, #tpu.memory_space<hbm>> -> memref<16x128xf32, #tpu.memory_space<hbm>>
      tpu.enqueue_dma source(%dma_start3A_161 : memref<16x128xf32, #tpu.memory_space<hbm>>) target(%arg21 : memref<16x128xf32, #tpu.memory_space<vmem>>) target_semaphore(%arg39 : memref<!tpu.dma_semaphore, #tpu.memory_space<semaphore_mem>>)
      %slice3A_162 = vector.extract_strided_slice %get3A_20 {offsets = [15], sizes = [1], strides = [1]} : vector<16xi32> to vector<1xi32>
      %squeeze3A_163 = vector.extract %slice3A_162[0] : i32 from vector<1xi32>
      %and3A_164 = arith.constant -128 : i32
      %and3A_165 = arith.andi %squeeze3A_163, %and3A_164 : i32
      %multiple_of3A_166 = tpu.assume_multiple %and3A_165, 128 : i32
      %dma_start3A_167 = arith.constant 0 : i32
      %dma_start3A_168 = tpu.memref_slice %arg2[%dma_start3A_167, %multiple_of3A_166] : memref<16x1000000xf32, #tpu.memory_space<hbm>> -> memref<16x128xf32, #tpu.memory_space<hbm>>
      %dma_start3A_169 = arith.constant 0 : i32
      %dma_start3A_170 = tpu.memref_slice %arg2[%dma_start3A_169, %multiple_of3A_166] : memref<16x1000000xf32, #tpu.memory_space<hbm>> -> memref<16x128xf32, #tpu.memory_space<hbm>>
      tpu.enqueue_dma source(%dma_start3A_170 : memref<16x128xf32, #tpu.memory_space<hbm>>) target(%arg22 : memref<16x128xf32, #tpu.memory_space<vmem>>) target_semaphore(%arg39 : memref<!tpu.dma_semaphore, #tpu.memory_space<semaphore_mem>>)
      %slice3A_171 = vector.extract_strided_slice %get3A_31 {offsets = [0], sizes = [1], strides = [1]} : vector<16xi32> to vector<1xi32>
      %squeeze3A_172 = vector.extract %slice3A_171[0] : i32 from vector<1xi32>
      %and3A_173 = arith.constant -128 : i32
      %and3A_174 = arith.andi %squeeze3A_172, %and3A_173 : i32
      %multiple_of3A_175 = tpu.assume_multiple %and3A_174, 128 : i32
      %dma_start3A_176 = arith.constant 0 : i32
      %dma_start3A_177 = tpu.memref_slice %arg2[%dma_start3A_176, %multiple_of3A_175] : memref<16x1000000xf32, #tpu.memory_space<hbm>> -> memref<16x128xf32, #tpu.memory_space<hbm>>
      %dma_start3A_178 = arith.constant 0 : i32
      %dma_start3A_179 = tpu.memref_slice %arg2[%dma_start3A_178, %multiple_of3A_175] : memref<16x1000000xf32, #tpu.memory_space<hbm>> -> memref<16x128xf32, #tpu.memory_space<hbm>>
      tpu.enqueue_dma source(%dma_start3A_179 : memref<16x128xf32, #tpu.memory_space<hbm>>) target(%arg23 : memref<16x128xf32, #tpu.memory_space<vmem>>) target_semaphore(%arg39 : memref<!tpu.dma_semaphore, #tpu.memory_space<semaphore_mem>>)
      %slice3A_180 = vector.extract_strided_slice %get3A_31 {offsets = [1], sizes = [1], strides = [1]} : vector<16xi32> to vector<1xi32>
      %squeeze3A_181 = vector.extract %slice3A_180[0] : i32 from vector<1xi32>
      %and3A_182 = arith.constant -128 : i32
      %and3A_183 = arith.andi %squeeze3A_181, %and3A_182 : i32
      %multiple_of3A_184 = tpu.assume_multiple %and3A_183, 128 : i32
      %dma_start3A_185 = arith.constant 0 : i32
      %dma_start3A_186 = tpu.memref_slice %arg2[%dma_start3A_185, %multiple_of3A_184] : memref<16x1000000xf32, #tpu.memory_space<hbm>> -> memref<16x128xf32, #tpu.memory_space<hbm>>
      %dma_start3A_187 = arith.constant 0 : i32
      %dma_start3A_188 = tpu.memref_slice %arg2[%dma_start3A_187, %multiple_of3A_184] : memref<16x1000000xf32, #tpu.memory_space<hbm>> -> memref<16x128xf32, #tpu.memory_space<hbm>>
      tpu.enqueue_dma source(%dma_start3A_188 : memref<16x128xf32, #tpu.memory_space<hbm>>) target(%arg24 : memref<16x128xf32, #tpu.memory_space<vmem>>) target_semaphore(%arg39 : memref<!tpu.dma_semaphore, #tpu.memory_space<semaphore_mem>>)
      %slice3A_189 = vector.extract_strided_slice %get3A_31 {offsets = [2], sizes = [1], strides = [1]} : vector<16xi32> to vector<1xi32>
      %squeeze3A_190 = vector.extract %slice3A_189[0] : i32 from vector<1xi32>
      %and3A_191 = arith.constant -128 : i32
      %and3A_192 = arith.andi %squeeze3A_190, %and3A_191 : i32
      %multiple_of3A_193 = tpu.assume_multiple %and3A_192, 128 : i32
      %dma_start3A_194 = arith.constant 0 : i32
      %dma_start3A_195 = tpu.memref_slice %arg2[%dma_start3A_194, %multiple_of3A_193] : memref<16x1000000xf32, #tpu.memory_space<hbm>> -> memref<16x128xf32, #tpu.memory_space<hbm>>
      %dma_start3A_196 = arith.constant 0 : i32
      %dma_start3A_197 = tpu.memref_slice %arg2[%dma_start3A_196, %multiple_of3A_193] : memref<16x1000000xf32, #tpu.memory_space<hbm>> -> memref<16x128xf32, #tpu.memory_space<hbm>>
      tpu.enqueue_dma source(%dma_start3A_197 : memref<16x128xf32, #tpu.memory_space<hbm>>) target(%arg25 : memref<16x128xf32, #tpu.memory_space<vmem>>) target_semaphore(%arg39 : memref<!tpu.dma_semaphore, #tpu.memory_space<semaphore_mem>>)
      %slice3A_198 = vector.extract_strided_slice %get3A_31 {offsets = [3], sizes = [1], strides = [1]} : vector<16xi32> to vector<1xi32>
      %squeeze3A_199 = vector.extract %slice3A_198[0] : i32 from vector<1xi32>
      %and3A_200 = arith.constant -128 : i32
      %and3A_201 = arith.andi %squeeze3A_199, %and3A_200 : i32
      %multiple_of3A_202 = tpu.assume_multiple %and3A_201, 128 : i32
      %dma_start3A_203 = arith.constant 0 : i32
      %dma_start3A_204 = tpu.memref_slice %arg2[%dma_start3A_203, %multiple_of3A_202] : memref<16x1000000xf32, #tpu.memory_space<hbm>> -> memref<16x128xf32, #tpu.memory_space<hbm>>
      %dma_start3A_205 = arith.constant 0 : i32
      %dma_start3A_206 = tpu.memref_slice %arg2[%dma_start3A_205, %multiple_of3A_202] : memref<16x1000000xf32, #tpu.memory_space<hbm>> -> memref<16x128xf32, #tpu.memory_space<hbm>>
      tpu.enqueue_dma source(%dma_start3A_206 : memref<16x128xf32, #tpu.memory_space<hbm>>) target(%arg26 : memref<16x128xf32, #tpu.memory_space<vmem>>) target_semaphore(%arg39 : memref<!tpu.dma_semaphore, #tpu.memory_space<semaphore_mem>>)
      %slice3A_207 = vector.extract_strided_slice %get3A_31 {offsets = [4], sizes = [1], strides = [1]} : vector<16xi32> to vector<1xi32>
      %squeeze3A_208 = vector.extract %slice3A_207[0] : i32 from vector<1xi32>
      %and3A_209 = arith.constant -128 : i32
      %and3A_210 = arith.andi %squeeze3A_208, %and3A_209 : i32
      %multiple_of3A_211 = tpu.assume_multiple %and3A_210, 128 : i32
      %dma_start3A_212 = arith.constant 0 : i32
      %dma_start3A_213 = tpu.memref_slice %arg2[%dma_start3A_212, %multiple_of3A_211] : memref<16x1000000xf32, #tpu.memory_space<hbm>> -> memref<16x128xf32, #tpu.memory_space<hbm>>
      %dma_start3A_214 = arith.constant 0 : i32
      %dma_start3A_215 = tpu.memref_slice %arg2[%dma_start3A_214, %multiple_of3A_211] : memref<16x1000000xf32, #tpu.memory_space<hbm>> -> memref<16x128xf32, #tpu.memory_space<hbm>>
      tpu.enqueue_dma source(%dma_start3A_215 : memref<16x128xf32, #tpu.memory_space<hbm>>) target(%arg27 : memref<16x128xf32, #tpu.memory_space<vmem>>) target_semaphore(%arg39 : memref<!tpu.dma_semaphore, #tpu.memory_space<semaphore_mem>>)
      %slice3A_216 = vector.extract_strided_slice %get3A_31 {offsets = [5], sizes = [1], strides = [1]} : vector<16xi32> to vector<1xi32>
      %squeeze3A_217 = vector.extract %slice3A_216[0] : i32 from vector<1xi32>
      %and3A_218 = arith.constant -128 : i32
      %and3A_219 = arith.andi %squeeze3A_217, %and3A_218 : i32
      %multiple_of3A_220 = tpu.assume_multiple %and3A_219, 128 : i32
      %dma_start3A_221 = arith.constant 0 : i32
      %dma_start3A_222 = tpu.memref_slice %arg2[%dma_start3A_221, %multiple_of3A_220] : memref<16x1000000xf32, #tpu.memory_space<hbm>> -> memref<16x128xf32, #tpu.memory_space<hbm>>
      %dma_start3A_223 = arith.constant 0 : i32
      %dma_start3A_224 = tpu.memref_slice %arg2[%dma_start3A_223, %multiple_of3A_220] : memref<16x1000000xf32, #tpu.memory_space<hbm>> -> memref<16x128xf32, #tpu.memory_space<hbm>>
      tpu.enqueue_dma source(%dma_start3A_224 : memref<16x128xf32, #tpu.memory_space<hbm>>) target(%arg28 : memref<16x128xf32, #tpu.memory_space<vmem>>) target_semaphore(%arg39 : memref<!tpu.dma_semaphore, #tpu.memory_space<semaphore_mem>>)
      %slice3A_225 = vector.extract_strided_slice %get3A_31 {offsets = [6], sizes = [1], strides = [1]} : vector<16xi32> to vector<1xi32>
      %squeeze3A_226 = vector.extract %slice3A_225[0] : i32 from vector<1xi32>
      %and3A_227 = arith.constant -128 : i32
      %and3A_228 = arith.andi %squeeze3A_226, %and3A_227 : i32
      %multiple_of3A_229 = tpu.assume_multiple %and3A_228, 128 : i32
      %dma_start3A_230 = arith.constant 0 : i32
      %dma_start3A_231 = tpu.memref_slice %arg2[%dma_start3A_230, %multiple_of3A_229] : memref<16x1000000xf32, #tpu.memory_space<hbm>> -> memref<16x128xf32, #tpu.memory_space<hbm>>
      %dma_start3A_232 = arith.constant 0 : i32
      %dma_start3A_233 = tpu.memref_slice %arg2[%dma_start3A_232, %multiple_of3A_229] : memref<16x1000000xf32, #tpu.memory_space<hbm>> -> memref<16x128xf32, #tpu.memory_space<hbm>>
      tpu.enqueue_dma source(%dma_start3A_233 : memref<16x128xf32, #tpu.memory_space<hbm>>) target(%arg29 : memref<16x128xf32, #tpu.memory_space<vmem>>) target_semaphore(%arg39 : memref<!tpu.dma_semaphore, #tpu.memory_space<semaphore_mem>>)
      %slice3A_234 = vector.extract_strided_slice %get3A_31 {offsets = [7], sizes = [1], strides = [1]} : vector<16xi32> to vector<1xi32>
      %squeeze3A_235 = vector.extract %slice3A_234[0] : i32 from vector<1xi32>
      %and3A_236 = arith.constant -128 : i32
      %and3A_237 = arith.andi %squeeze3A_235, %and3A_236 : i32
      %multiple_of3A_238 = tpu.assume_multiple %and3A_237, 128 : i32
      %dma_start3A_239 = arith.constant 0 : i32
      %dma_start3A_240 = tpu.memref_slice %arg2[%dma_start3A_239, %multiple_of3A_238] : memref<16x1000000xf32, #tpu.memory_space<hbm>> -> memref<16x128xf32, #tpu.memory_space<hbm>>
      %dma_start3A_241 = arith.constant 0 : i32
      %dma_start3A_242 = tpu.memref_slice %arg2[%dma_start3A_241, %multiple_of3A_238] : memref<16x1000000xf32, #tpu.memory_space<hbm>> -> memref<16x128xf32, #tpu.memory_space<hbm>>
      tpu.enqueue_dma source(%dma_start3A_242 : memref<16x128xf32, #tpu.memory_space<hbm>>) target(%arg30 : memref<16x128xf32, #tpu.memory_space<vmem>>) target_semaphore(%arg39 : memref<!tpu.dma_semaphore, #tpu.memory_space<semaphore_mem>>)
      %slice3A_243 = vector.extract_strided_slice %get3A_31 {offsets = [8], sizes = [1], strides = [1]} : vector<16xi32> to vector<1xi32>
      %squeeze3A_244 = vector.extract %slice3A_243[0] : i32 from vector<1xi32>
      %and3A_245 = arith.constant -128 : i32
      %and3A_246 = arith.andi %squeeze3A_244, %and3A_245 : i32
      %multiple_of3A_247 = tpu.assume_multiple %and3A_246, 128 : i32
      %dma_start3A_248 = arith.constant 0 : i32
      %dma_start3A_249 = tpu.memref_slice %arg2[%dma_start3A_248, %multiple_of3A_247] : memref<16x1000000xf32, #tpu.memory_space<hbm>> -> memref<16x128xf32, #tpu.memory_space<hbm>>
      %dma_start3A_250 = arith.constant 0 : i32
      %dma_start3A_251 = tpu.memref_slice %arg2[%dma_start3A_250, %multiple_of3A_247] : memref<16x1000000xf32, #tpu.memory_space<hbm>> -> memref<16x128xf32, #tpu.memory_space<hbm>>
      tpu.enqueue_dma source(%dma_start3A_251 : memref<16x128xf32, #tpu.memory_space<hbm>>) target(%arg31 : memref<16x128xf32, #tpu.memory_space<vmem>>) target_semaphore(%arg39 : memref<!tpu.dma_semaphore, #tpu.memory_space<semaphore_mem>>)
      %slice3A_252 = vector.extract_strided_slice %get3A_31 {offsets = [9], sizes = [1], strides = [1]} : vector<16xi32> to vector<1xi32>
      %squeeze3A_253 = vector.extract %slice3A_252[0] : i32 from vector<1xi32>
      %and3A_254 = arith.constant -128 : i32
      %and3A_255 = arith.andi %squeeze3A_253, %and3A_254 : i32
      %multiple_of3A_256 = tpu.assume_multiple %and3A_255, 128 : i32
      %dma_start3A_257 = arith.constant 0 : i32
      %dma_start3A_258 = tpu.memref_slice %arg2[%dma_start3A_257, %multiple_of3A_256] : memref<16x1000000xf32, #tpu.memory_space<hbm>> -> memref<16x128xf32, #tpu.memory_space<hbm>>
      %dma_start3A_259 = arith.constant 0 : i32
      %dma_start3A_260 = tpu.memref_slice %arg2[%dma_start3A_259, %multiple_of3A_256] : memref<16x1000000xf32, #tpu.memory_space<hbm>> -> memref<16x128xf32, #tpu.memory_space<hbm>>
      tpu.enqueue_dma source(%dma_start3A_260 : memref<16x128xf32, #tpu.memory_space<hbm>>) target(%arg32 : memref<16x128xf32, #tpu.memory_space<vmem>>) target_semaphore(%arg39 : memref<!tpu.dma_semaphore, #tpu.memory_space<semaphore_mem>>)
      %slice3A_261 = vector.extract_strided_slice %get3A_31 {offsets = [10], sizes = [1], strides = [1]} : vector<16xi32> to vector<1xi32>
      %squeeze3A_262 = vector.extract %slice3A_261[0] : i32 from vector<1xi32>
      %and3A_263 = arith.constant -128 : i32
      %and3A_264 = arith.andi %squeeze3A_262, %and3A_263 : i32
      %multiple_of3A_265 = tpu.assume_multiple %and3A_264, 128 : i32
      %dma_start3A_266 = arith.constant 0 : i32
      %dma_start3A_267 = tpu.memref_slice %arg2[%dma_start3A_266, %multiple_of3A_265] : memref<16x1000000xf32, #tpu.memory_space<hbm>> -> memref<16x128xf32, #tpu.memory_space<hbm>>
      %dma_start3A_268 = arith.constant 0 : i32
      %dma_start3A_269 = tpu.memref_slice %arg2[%dma_start3A_268, %multiple_of3A_265] : memref<16x1000000xf32, #tpu.memory_space<hbm>> -> memref<16x128xf32, #tpu.memory_space<hbm>>
      tpu.enqueue_dma source(%dma_start3A_269 : memref<16x128xf32, #tpu.memory_space<hbm>>) target(%arg33 : memref<16x128xf32, #tpu.memory_space<vmem>>) target_semaphore(%arg39 : memref<!tpu.dma_semaphore, #tpu.memory_space<semaphore_mem>>)
      %slice3A_270 = vector.extract_strided_slice %get3A_31 {offsets = [11], sizes = [1], strides = [1]} : vector<16xi32> to vector<1xi32>
      %squeeze3A_271 = vector.extract %slice3A_270[0] : i32 from vector<1xi32>
      %and3A_272 = arith.constant -128 : i32
      %and3A_273 = arith.andi %squeeze3A_271, %and3A_272 : i32
      %multiple_of3A_274 = tpu.assume_multiple %and3A_273, 128 : i32
      %dma_start3A_275 = arith.constant 0 : i32
      %dma_start3A_276 = tpu.memref_slice %arg2[%dma_start3A_275, %multiple_of3A_274] : memref<16x1000000xf32, #tpu.memory_space<hbm>> -> memref<16x128xf32, #tpu.memory_space<hbm>>
      %dma_start3A_277 = arith.constant 0 : i32
      %dma_start3A_278 = tpu.memref_slice %arg2[%dma_start3A_277, %multiple_of3A_274] : memref<16x1000000xf32, #tpu.memory_space<hbm>> -> memref<16x128xf32, #tpu.memory_space<hbm>>
      tpu.enqueue_dma source(%dma_start3A_278 : memref<16x128xf32, #tpu.memory_space<hbm>>) target(%arg34 : memref<16x128xf32, #tpu.memory_space<vmem>>) target_semaphore(%arg39 : memref<!tpu.dma_semaphore, #tpu.memory_space<semaphore_mem>>)
      %slice3A_279 = vector.extract_strided_slice %get3A_31 {offsets = [12], sizes = [1], strides = [1]} : vector<16xi32> to vector<1xi32>
      %squeeze3A_280 = vector.extract %slice3A_279[0] : i32 from vector<1xi32>
      %and3A_281 = arith.constant -128 : i32
      %and3A_282 = arith.andi %squeeze3A_280, %and3A_281 : i32
      %multiple_of3A_283 = tpu.assume_multiple %and3A_282, 128 : i32
      %dma_start3A_284 = arith.constant 0 : i32
      %dma_start3A_285 = tpu.memref_slice %arg2[%dma_start3A_284, %multiple_of3A_283] : memref<16x1000000xf32, #tpu.memory_space<hbm>> -> memref<16x128xf32, #tpu.memory_space<hbm>>
      %dma_start3A_286 = arith.constant 0 : i32
      %dma_start3A_287 = tpu.memref_slice %arg2[%dma_start3A_286, %multiple_of3A_283] : memref<16x1000000xf32, #tpu.memory_space<hbm>> -> memref<16x128xf32, #tpu.memory_space<hbm>>
      tpu.enqueue_dma source(%dma_start3A_287 : memref<16x128xf32, #tpu.memory_space<hbm>>) target(%arg35 : memref<16x128xf32, #tpu.memory_space<vmem>>) target_semaphore(%arg39 : memref<!tpu.dma_semaphore, #tpu.memory_space<semaphore_mem>>)
      %slice3A_288 = vector.extract_strided_slice %get3A_31 {offsets = [13], sizes = [1], strides = [1]} : vector<16xi32> to vector<1xi32>
      %squeeze3A_289 = vector.extract %slice3A_288[0] : i32 from vector<1xi32>
      %and3A_290 = arith.constant -128 : i32
      %and3A_291 = arith.andi %squeeze3A_289, %and3A_290 : i32
      %multiple_of3A_292 = tpu.assume_multiple %and3A_291, 128 : i32
      %dma_start3A_293 = arith.constant 0 : i32
      %dma_start3A_294 = tpu.memref_slice %arg2[%dma_start3A_293, %multiple_of3A_292] : memref<16x1000000xf32, #tpu.memory_space<hbm>> -> memref<16x128xf32, #tpu.memory_space<hbm>>
      %dma_start3A_295 = arith.constant 0 : i32
      %dma_start3A_296 = tpu.memref_slice %arg2[%dma_start3A_295, %multiple_of3A_292] : memref<16x1000000xf32, #tpu.memory_space<hbm>> -> memref<16x128xf32, #tpu.memory_space<hbm>>
      tpu.enqueue_dma source(%dma_start3A_296 : memref<16x128xf32, #tpu.memory_space<hbm>>) target(%arg36 : memref<16x128xf32, #tpu.memory_space<vmem>>) target_semaphore(%arg39 : memref<!tpu.dma_semaphore, #tpu.memory_space<semaphore_mem>>)
      %slice3A_297 = vector.extract_strided_slice %get3A_31 {offsets = [14], sizes = [1], strides = [1]} : vector<16xi32> to vector<1xi32>
      %squeeze3A_298 = vector.extract %slice3A_297[0] : i32 from vector<1xi32>
      %and3A_299 = arith.constant -128 : i32
      %and3A_300 = arith.andi %squeeze3A_298, %and3A_299 : i32
      %multiple_of3A_301 = tpu.assume_multiple %and3A_300, 128 : i32
      %dma_start3A_302 = arith.constant 0 : i32
      %dma_start3A_303 = tpu.memref_slice %arg2[%dma_start3A_302, %multiple_of3A_301] : memref<16x1000000xf32, #tpu.memory_space<hbm>> -> memref<16x128xf32, #tpu.memory_space<hbm>>
      %dma_start3A_304 = arith.constant 0 : i32
      %dma_start3A_305 = tpu.memref_slice %arg2[%dma_start3A_304, %multiple_of3A_301] : memref<16x1000000xf32, #tpu.memory_space<hbm>> -> memref<16x128xf32, #tpu.memory_space<hbm>>
      tpu.enqueue_dma source(%dma_start3A_305 : memref<16x128xf32, #tpu.memory_space<hbm>>) target(%arg37 : memref<16x128xf32, #tpu.memory_space<vmem>>) target_semaphore(%arg39 : memref<!tpu.dma_semaphore, #tpu.memory_space<semaphore_mem>>)
      %slice3A_306 = vector.extract_strided_slice %get3A_31 {offsets = [15], sizes = [1], strides = [1]} : vector<16xi32> to vector<1xi32>
      %squeeze3A_307 = vector.extract %slice3A_306[0] : i32 from vector<1xi32>
      %and3A_308 = arith.constant -128 : i32
      %and3A_309 = arith.andi %squeeze3A_307, %and3A_308 : i32
      %multiple_of3A_310 = tpu.assume_multiple %and3A_309, 128 : i32
      %dma_start3A_311 = arith.constant 0 : i32
      %dma_start3A_312 = tpu.memref_slice %arg2[%dma_start3A_311, %multiple_of3A_310] : memref<16x1000000xf32, #tpu.memory_space<hbm>> -> memref<16x128xf32, #tpu.memory_space<hbm>>
      %dma_start3A_313 = arith.constant 0 : i32
      %dma_start3A_314 = tpu.memref_slice %arg2[%dma_start3A_313, %multiple_of3A_310] : memref<16x1000000xf32, #tpu.memory_space<hbm>> -> memref<16x128xf32, #tpu.memory_space<hbm>>
      tpu.enqueue_dma source(%dma_start3A_314 : memref<16x128xf32, #tpu.memory_space<hbm>>) target(%arg38 : memref<16x128xf32, #tpu.memory_space<vmem>>) target_semaphore(%arg39 : memref<!tpu.dma_semaphore, #tpu.memory_space<semaphore_mem>>)
      %dma_wait3A = arith.constant 0 : i32
      %dma_wait3A_315 = tpu.memref_slice %arg2[%dma_wait3A, %multiple_of3A] : memref<16x1000000xf32, #tpu.memory_space<hbm>> -> memref<16x128xf32, #tpu.memory_space<hbm>>
      %dma_wait3A_316 = arith.constant 0 : i32
      %dma_wait3A_317 = tpu.memref_slice %arg2[%dma_wait3A_316, %multiple_of3A] : memref<16x1000000xf32, #tpu.memory_space<hbm>> -> memref<16x128xf32, #tpu.memory_space<hbm>>
      tpu.wait_dma2 semaphore(%arg39 : memref<!tpu.dma_semaphore, #tpu.memory_space<semaphore_mem>>) src(%dma_wait3A_317 : memref<16x128xf32, #tpu.memory_space<hbm>>) dst(%arg7 : memref<16x128xf32, #tpu.memory_space<vmem>>)
      %slice3A_318 = vector.extract_strided_slice %get3A_20 {offsets = [0], sizes = [1], strides = [1]} : vector<16xi32> to vector<1xi32>
      %squeeze3A_319 = vector.extract %slice3A_318[0] : i32 from vector<1xi32>
      %and3A_320 = arith.constant 127 : i32
      %and3A_321 = arith.andi %squeeze3A_319, %and3A_320 : i32
      %broadcast_in_dim3A = vector.broadcast %and3A_321 : i32 to vector<16xi32>
      %gather3A = tpu.vector_load_idx %arg7[%iota3A, %broadcast_in_dim3A] : memref<16x128xf32, #tpu.memory_space<vmem>>[vector<16xi32>, vector<16xi32>], vector<16xf32>,
      %add3A_322 = arith.constant 0 : i32
      %add3A_323 = arith.addi %mul3A_12, %add3A_322 : i32
      %broadcast_in_dim3A_324 = vector.broadcast %add3A_323 : i32 to vector<16xi32>
      tpu.vector_store_idx %arg6[%iota3A, %broadcast_in_dim3A_324], %gather3A : memref<16x512xf32, #tpu.memory_space<vmem>>[vector<16xi32>, vector<16xi32>], vector<16xf32>,
      %dma_wait3A_325 = arith.constant 0 : i32
      %dma_wait3A_326 = tpu.memref_slice %arg2[%dma_wait3A_325, %multiple_of3A_40] : memref<16x1000000xf32, #tpu.memory_space<hbm>> -> memref<16x128xf32, #tpu.memory_space<hbm>>
      %dma_wait3A_327 = arith.constant 0 : i32
      %dma_wait3A_328 = tpu.memref_slice %arg2[%dma_wait3A_327, %multiple_of3A_40] : memref<16x1000000xf32, #tpu.memory_space<hbm>> -> memref<16x128xf32, #tpu.memory_space<hbm>>
      tpu.wait_dma2 semaphore(%arg39 : memref<!tpu.dma_semaphore, #tpu.memory_space<semaphore_mem>>) src(%dma_wait3A_328 : memref<16x128xf32, #tpu.memory_space<hbm>>) dst(%arg8 : memref<16x128xf32, #tpu.memory_space<vmem>>)
      %slice3A_329 = vector.extract_strided_slice %get3A_20 {offsets = [1], sizes = [1], strides = [1]} : vector<16xi32> to vector<1xi32>
      %squeeze3A_330 = vector.extract %slice3A_329[0] : i32 from vector<1xi32>
      %and3A_331 = arith.constant 127 : i32
      %and3A_332 = arith.andi %squeeze3A_330, %and3A_331 : i32
      %broadcast_in_dim3A_333 = vector.broadcast %and3A_332 : i32 to vector<16xi32>
      %gather3A_334 = tpu.vector_load_idx %arg8[%iota3A, %broadcast_in_dim3A_333] : memref<16x128xf32, #tpu.memory_space<vmem>>[vector<16xi32>, vector<16xi32>], vector<16xf32>,
      %add3A_335 = arith.constant 1 : i32
      %add3A_336 = arith.addi %mul3A_12, %add3A_335 : i32
      %broadcast_in_dim3A_337 = vector.broadcast %add3A_336 : i32 to vector<16xi32>
      tpu.vector_store_idx %arg6[%iota3A, %broadcast_in_dim3A_337], %gather3A_334 : memref<16x512xf32, #tpu.memory_space<vmem>>[vector<16xi32>, vector<16xi32>], vector<16xf32>,
      %dma_wait3A_338 = arith.constant 0 : i32
      %dma_wait3A_339 = tpu.memref_slice %arg2[%dma_wait3A_338, %multiple_of3A_49] : memref<16x1000000xf32, #tpu.memory_space<hbm>> -> memref<16x128xf32, #tpu.memory_space<hbm>>
      %dma_wait3A_340 = arith.constant 0 : i32
      %dma_wait3A_341 = tpu.memref_slice %arg2[%dma_wait3A_340, %multiple_of3A_49] : memref<16x1000000xf32, #tpu.memory_space<hbm>> -> memref<16x128xf32, #tpu.memory_space<hbm>>
      tpu.wait_dma2 semaphore(%arg39 : memref<!tpu.dma_semaphore, #tpu.memory_space<semaphore_mem>>) src(%dma_wait3A_341 : memref<16x128xf32, #tpu.memory_space<hbm>>) dst(%arg9 : memref<16x128xf32, #tpu.memory_space<vmem>>)
      %slice3A_342 = vector.extract_strided_slice %get3A_20 {offsets = [2], sizes = [1], strides = [1]} : vector<16xi32> to vector<1xi32>
      %squeeze3A_343 = vector.extract %slice3A_342[0] : i32 from vector<1xi32>
      %and3A_344 = arith.constant 127 : i32
      %and3A_345 = arith.andi %squeeze3A_343, %and3A_344 : i32
      %broadcast_in_dim3A_346 = vector.broadcast %and3A_345 : i32 to vector<16xi32>
      %gather3A_347 = tpu.vector_load_idx %arg9[%iota3A, %broadcast_in_dim3A_346] : memref<16x128xf32, #tpu.memory_space<vmem>>[vector<16xi32>, vector<16xi32>], vector<16xf32>,
      %add3A_348 = arith.constant 2 : i32
      %add3A_349 = arith.addi %mul3A_12, %add3A_348 : i32
      %broadcast_in_dim3A_350 = vector.broadcast %add3A_349 : i32 to vector<16xi32>
      tpu.vector_store_idx %arg6[%iota3A, %broadcast_in_dim3A_350], %gather3A_347 : memref<16x512xf32, #tpu.memory_space<vmem>>[vector<16xi32>, vector<16xi32>], vector<16xf32>,
      %dma_wait3A_351 = arith.constant 0 : i32
      %dma_wait3A_352 = tpu.memref_slice %arg2[%dma_wait3A_351, %multiple_of3A_58] : memref<16x1000000xf32, #tpu.memory_space<hbm>> -> memref<16x128xf32, #tpu.memory_space<hbm>>
      %dma_wait3A_353 = arith.constant 0 : i32
      %dma_wait3A_354 = tpu.memref_slice %arg2[%dma_wait3A_353, %multiple_of3A_58] : memref<16x1000000xf32, #tpu.memory_space<hbm>> -> memref<16x128xf32, #tpu.memory_space<hbm>>
      tpu.wait_dma2 semaphore(%arg39 : memref<!tpu.dma_semaphore, #tpu.memory_space<semaphore_mem>>) src(%dma_wait3A_354 : memref<16x128xf32, #tpu.memory_space<hbm>>) dst(%arg10 : memref<16x128xf32, #tpu.memory_space<vmem>>)
      %slice3A_355 = vector.extract_strided_slice %get3A_20 {offsets = [3], sizes = [1], strides = [1]} : vector<16xi32> to vector<1xi32>
      %squeeze3A_356 = vector.extract %slice3A_355[0] : i32 from vector<1xi32>
      %and3A_357 = arith.constant 127 : i32
      %and3A_358 = arith.andi %squeeze3A_356, %and3A_357 : i32
      %broadcast_in_dim3A_359 = vector.broadcast %and3A_358 : i32 to vector<16xi32>
      %gather3A_360 = tpu.vector_load_idx %arg10[%iota3A, %broadcast_in_dim3A_359] : memref<16x128xf32, #tpu.memory_space<vmem>>[vector<16xi32>, vector<16xi32>], vector<16xf32>,
      %add3A_361 = arith.constant 3 : i32
      %add3A_362 = arith.addi %mul3A_12, %add3A_361 : i32
      %broadcast_in_dim3A_363 = vector.broadcast %add3A_362 : i32 to vector<16xi32>
      tpu.vector_store_idx %arg6[%iota3A, %broadcast_in_dim3A_363], %gather3A_360 : memref<16x512xf32, #tpu.memory_space<vmem>>[vector<16xi32>, vector<16xi32>], vector<16xf32>,
      %dma_wait3A_364 = arith.constant 0 : i32
      %dma_wait3A_365 = tpu.memref_slice %arg2[%dma_wait3A_364, %multiple_of3A_67] : memref<16x1000000xf32, #tpu.memory_space<hbm>> -> memref<16x128xf32, #tpu.memory_space<hbm>>
      %dma_wait3A_366 = arith.constant 0 : i32
      %dma_wait3A_367 = tpu.memref_slice %arg2[%dma_wait3A_366, %multiple_of3A_67] : memref<16x1000000xf32, #tpu.memory_space<hbm>> -> memref<16x128xf32, #tpu.memory_space<hbm>>
      tpu.wait_dma2 semaphore(%arg39 : memref<!tpu.dma_semaphore, #tpu.memory_space<semaphore_mem>>) src(%dma_wait3A_367 : memref<16x128xf32, #tpu.memory_space<hbm>>) dst(%arg11 : memref<16x128xf32, #tpu.memory_space<vmem>>)
      %slice3A_368 = vector.extract_strided_slice %get3A_20 {offsets = [4], sizes = [1], strides = [1]} : vector<16xi32> to vector<1xi32>
      %squeeze3A_369 = vector.extract %slice3A_368[0] : i32 from vector<1xi32>
      %and3A_370 = arith.constant 127 : i32
      %and3A_371 = arith.andi %squeeze3A_369, %and3A_370 : i32
      %broadcast_in_dim3A_372 = vector.broadcast %and3A_371 : i32 to vector<16xi32>
      %gather3A_373 = tpu.vector_load_idx %arg11[%iota3A, %broadcast_in_dim3A_372] : memref<16x128xf32, #tpu.memory_space<vmem>>[vector<16xi32>, vector<16xi32>], vector<16xf32>,
      %add3A_374 = arith.constant 4 : i32
      %add3A_375 = arith.addi %mul3A_12, %add3A_374 : i32
      %broadcast_in_dim3A_376 = vector.broadcast %add3A_375 : i32 to vector<16xi32>
      tpu.vector_store_idx %arg6[%iota3A, %broadcast_in_dim3A_376], %gather3A_373 : memref<16x512xf32, #tpu.memory_space<vmem>>[vector<16xi32>, vector<16xi32>], vector<16xf32>,
      %dma_wait3A_377 = arith.constant 0 : i32
      %dma_wait3A_378 = tpu.memref_slice %arg2[%dma_wait3A_377, %multiple_of3A_76] : memref<16x1000000xf32, #tpu.memory_space<hbm>> -> memref<16x128xf32, #tpu.memory_space<hbm>>
      %dma_wait3A_379 = arith.constant 0 : i32
      %dma_wait3A_380 = tpu.memref_slice %arg2[%dma_wait3A_379, %multiple_of3A_76] : memref<16x1000000xf32, #tpu.memory_space<hbm>> -> memref<16x128xf32, #tpu.memory_space<hbm>>
      tpu.wait_dma2 semaphore(%arg39 : memref<!tpu.dma_semaphore, #tpu.memory_space<semaphore_mem>>) src(%dma_wait3A_380 : memref<16x128xf32, #tpu.memory_space<hbm>>) dst(%arg12 : memref<16x128xf32, #tpu.memory_space<vmem>>)
      %slice3A_381 = vector.extract_strided_slice %get3A_20 {offsets = [5], sizes = [1], strides = [1]} : vector<16xi32> to vector<1xi32>
      %squeeze3A_382 = vector.extract %slice3A_381[0] : i32 from vector<1xi32>
      %and3A_383 = arith.constant 127 : i32
      %and3A_384 = arith.andi %squeeze3A_382, %and3A_383 : i32
      %broadcast_in_dim3A_385 = vector.broadcast %and3A_384 : i32 to vector<16xi32>
      %gather3A_386 = tpu.vector_load_idx %arg12[%iota3A, %broadcast_in_dim3A_385] : memref<16x128xf32, #tpu.memory_space<vmem>>[vector<16xi32>, vector<16xi32>], vector<16xf32>,
      %add3A_387 = arith.constant 5 : i32
      %add3A_388 = arith.addi %mul3A_12, %add3A_387 : i32
      %broadcast_in_dim3A_389 = vector.broadcast %add3A_388 : i32 to vector<16xi32>
      tpu.vector_store_idx %arg6[%iota3A, %broadcast_in_dim3A_389], %gather3A_386 : memref<16x512xf32, #tpu.memory_space<vmem>>[vector<16xi32>, vector<16xi32>], vector<16xf32>,
      %dma_wait3A_390 = arith.constant 0 : i32
      %dma_wait3A_391 = tpu.memref_slice %arg2[%dma_wait3A_390, %multiple_of3A_85] : memref<16x1000000xf32, #tpu.memory_space<hbm>> -> memref<16x128xf32, #tpu.memory_space<hbm>>
      %dma_wait3A_392 = arith.constant 0 : i32
      %dma_wait3A_393 = tpu.memref_slice %arg2[%dma_wait3A_392, %multiple_of3A_85] : memref<16x1000000xf32, #tpu.memory_space<hbm>> -> memref<16x128xf32, #tpu.memory_space<hbm>>
      tpu.wait_dma2 semaphore(%arg39 : memref<!tpu.dma_semaphore, #tpu.memory_space<semaphore_mem>>) src(%dma_wait3A_393 : memref<16x128xf32, #tpu.memory_space<hbm>>) dst(%arg13 : memref<16x128xf32, #tpu.memory_space<vmem>>)
      %slice3A_394 = vector.extract_strided_slice %get3A_20 {offsets = [6], sizes = [1], strides = [1]} : vector<16xi32> to vector<1xi32>
      %squeeze3A_395 = vector.extract %slice3A_394[0] : i32 from vector<1xi32>
      %and3A_396 = arith.constant 127 : i32
      %and3A_397 = arith.andi %squeeze3A_395, %and3A_396 : i32
      %broadcast_in_dim3A_398 = vector.broadcast %and3A_397 : i32 to vector<16xi32>
      %gather3A_399 = tpu.vector_load_idx %arg13[%iota3A, %broadcast_in_dim3A_398] : memref<16x128xf32, #tpu.memory_space<vmem>>[vector<16xi32>, vector<16xi32>], vector<16xf32>,
      %add3A_400 = arith.constant 6 : i32
      %add3A_401 = arith.addi %mul3A_12, %add3A_400 : i32
      %broadcast_in_dim3A_402 = vector.broadcast %add3A_401 : i32 to vector<16xi32>
      tpu.vector_store_idx %arg6[%iota3A, %broadcast_in_dim3A_402], %gather3A_399 : memref<16x512xf32, #tpu.memory_space<vmem>>[vector<16xi32>, vector<16xi32>], vector<16xf32>,
      %dma_wait3A_403 = arith.constant 0 : i32
      %dma_wait3A_404 = tpu.memref_slice %arg2[%dma_wait3A_403, %multiple_of3A_94] : memref<16x1000000xf32, #tpu.memory_space<hbm>> -> memref<16x128xf32, #tpu.memory_space<hbm>>
      %dma_wait3A_405 = arith.constant 0 : i32
      %dma_wait3A_406 = tpu.memref_slice %arg2[%dma_wait3A_405, %multiple_of3A_94] : memref<16x1000000xf32, #tpu.memory_space<hbm>> -> memref<16x128xf32, #tpu.memory_space<hbm>>
      tpu.wait_dma2 semaphore(%arg39 : memref<!tpu.dma_semaphore, #tpu.memory_space<semaphore_mem>>) src(%dma_wait3A_406 : memref<16x128xf32, #tpu.memory_space<hbm>>) dst(%arg14 : memref<16x128xf32, #tpu.memory_space<vmem>>)
      %slice3A_407 = vector.extract_strided_slice %get3A_20 {offsets = [7], sizes = [1], strides = [1]} : vector<16xi32> to vector<1xi32>
      %squeeze3A_408 = vector.extract %slice3A_407[0] : i32 from vector<1xi32>
      %and3A_409 = arith.constant 127 : i32
      %and3A_410 = arith.andi %squeeze3A_408, %and3A_409 : i32
      %broadcast_in_dim3A_411 = vector.broadcast %and3A_410 : i32 to vector<16xi32>
      %gather3A_412 = tpu.vector_load_idx %arg14[%iota3A, %broadcast_in_dim3A_411] : memref<16x128xf32, #tpu.memory_space<vmem>>[vector<16xi32>, vector<16xi32>], vector<16xf32>,
      %add3A_413 = arith.constant 7 : i32
      %add3A_414 = arith.addi %mul3A_12, %add3A_413 : i32
      %broadcast_in_dim3A_415 = vector.broadcast %add3A_414 : i32 to vector<16xi32>
      tpu.vector_store_idx %arg6[%iota3A, %broadcast_in_dim3A_415], %gather3A_412 : memref<16x512xf32, #tpu.memory_space<vmem>>[vector<16xi32>, vector<16xi32>], vector<16xf32>,
      %dma_wait3A_416 = arith.constant 0 : i32
      %dma_wait3A_417 = tpu.memref_slice %arg2[%dma_wait3A_416, %multiple_of3A_103] : memref<16x1000000xf32, #tpu.memory_space<hbm>> -> memref<16x128xf32, #tpu.memory_space<hbm>>
      %dma_wait3A_418 = arith.constant 0 : i32
      %dma_wait3A_419 = tpu.memref_slice %arg2[%dma_wait3A_418, %multiple_of3A_103] : memref<16x1000000xf32, #tpu.memory_space<hbm>> -> memref<16x128xf32, #tpu.memory_space<hbm>>
      tpu.wait_dma2 semaphore(%arg39 : memref<!tpu.dma_semaphore, #tpu.memory_space<semaphore_mem>>) src(%dma_wait3A_419 : memref<16x128xf32, #tpu.memory_space<hbm>>) dst(%arg15 : memref<16x128xf32, #tpu.memory_space<vmem>>)
      %slice3A_420 = vector.extract_strided_slice %get3A_20 {offsets = [8], sizes = [1], strides = [1]} : vector<16xi32> to vector<1xi32>
      %squeeze3A_421 = vector.extract %slice3A_420[0] : i32 from vector<1xi32>
      %and3A_422 = arith.constant 127 : i32
      %and3A_423 = arith.andi %squeeze3A_421, %and3A_422 : i32
      %broadcast_in_dim3A_424 = vector.broadcast %and3A_423 : i32 to vector<16xi32>
      %gather3A_425 = tpu.vector_load_idx %arg15[%iota3A, %broadcast_in_dim3A_424] : memref<16x128xf32, #tpu.memory_space<vmem>>[vector<16xi32>, vector<16xi32>], vector<16xf32>,
      %add3A_426 = arith.constant 8 : i32
      %add3A_427 = arith.addi %mul3A_12, %add3A_426 : i32
      %broadcast_in_dim3A_428 = vector.broadcast %add3A_427 : i32 to vector<16xi32>
      tpu.vector_store_idx %arg6[%iota3A, %broadcast_in_dim3A_428], %gather3A_425 : memref<16x512xf32, #tpu.memory_space<vmem>>[vector<16xi32>, vector<16xi32>], vector<16xf32>,
      %dma_wait3A_429 = arith.constant 0 : i32
      %dma_wait3A_430 = tpu.memref_slice %arg2[%dma_wait3A_429, %multiple_of3A_112] : memref<16x1000000xf32, #tpu.memory_space<hbm>> -> memref<16x128xf32, #tpu.memory_space<hbm>>
      %dma_wait3A_431 = arith.constant 0 : i32
      %dma_wait3A_432 = tpu.memref_slice %arg2[%dma_wait3A_431, %multiple_of3A_112] : memref<16x1000000xf32, #tpu.memory_space<hbm>> -> memref<16x128xf32, #tpu.memory_space<hbm>>
      tpu.wait_dma2 semaphore(%arg39 : memref<!tpu.dma_semaphore, #tpu.memory_space<semaphore_mem>>) src(%dma_wait3A_432 : memref<16x128xf32, #tpu.memory_space<hbm>>) dst(%arg16 : memref<16x128xf32, #tpu.memory_space<vmem>>)
      %slice3A_433 = vector.extract_strided_slice %get3A_20 {offsets = [9], sizes = [1], strides = [1]} : vector<16xi32> to vector<1xi32>
      %squeeze3A_434 = vector.extract %slice3A_433[0] : i32 from vector<1xi32>
      %and3A_435 = arith.constant 127 : i32
      %and3A_436 = arith.andi %squeeze3A_434, %and3A_435 : i32
      %broadcast_in_dim3A_437 = vector.broadcast %and3A_436 : i32 to vector<16xi32>
      %gather3A_438 = tpu.vector_load_idx %arg16[%iota3A, %broadcast_in_dim3A_437] : memref<16x128xf32, #tpu.memory_space<vmem>>[vector<16xi32>, vector<16xi32>], vector<16xf32>,
      %add3A_439 = arith.constant 9 : i32
      %add3A_440 = arith.addi %mul3A_12, %add3A_439 : i32
      %broadcast_in_dim3A_441 = vector.broadcast %add3A_440 : i32 to vector<16xi32>
      tpu.vector_store_idx %arg6[%iota3A, %broadcast_in_dim3A_441], %gather3A_438 : memref<16x512xf32, #tpu.memory_space<vmem>>[vector<16xi32>, vector<16xi32>], vector<16xf32>,
      %dma_wait3A_442 = arith.constant 0 : i32
      %dma_wait3A_443 = tpu.memref_slice %arg2[%dma_wait3A_442, %multiple_of3A_121] : memref<16x1000000xf32, #tpu.memory_space<hbm>> -> memref<16x128xf32, #tpu.memory_space<hbm>>
      %dma_wait3A_444 = arith.constant 0 : i32
      %dma_wait3A_445 = tpu.memref_slice %arg2[%dma_wait3A_444, %multiple_of3A_121] : memref<16x1000000xf32, #tpu.memory_space<hbm>> -> memref<16x128xf32, #tpu.memory_space<hbm>>
      tpu.wait_dma2 semaphore(%arg39 : memref<!tpu.dma_semaphore, #tpu.memory_space<semaphore_mem>>) src(%dma_wait3A_445 : memref<16x128xf32, #tpu.memory_space<hbm>>) dst(%arg17 : memref<16x128xf32, #tpu.memory_space<vmem>>)
      %slice3A_446 = vector.extract_strided_slice %get3A_20 {offsets = [10], sizes = [1], strides = [1]} : vector<16xi32> to vector<1xi32>
      %squeeze3A_447 = vector.extract %slice3A_446[0] : i32 from vector<1xi32>
      %and3A_448 = arith.constant 127 : i32
      %and3A_449 = arith.andi %squeeze3A_447, %and3A_448 : i32
      %broadcast_in_dim3A_450 = vector.broadcast %and3A_449 : i32 to vector<16xi32>
      %gather3A_451 = tpu.vector_load_idx %arg17[%iota3A, %broadcast_in_dim3A_450] : memref<16x128xf32, #tpu.memory_space<vmem>>[vector<16xi32>, vector<16xi32>], vector<16xf32>,
      %add3A_452 = arith.constant 10 : i32
      %add3A_453 = arith.addi %mul3A_12, %add3A_452 : i32
      %broadcast_in_dim3A_454 = vector.broadcast %add3A_453 : i32 to vector<16xi32>
      tpu.vector_store_idx %arg6[%iota3A, %broadcast_in_dim3A_454], %gather3A_451 : memref<16x512xf32, #tpu.memory_space<vmem>>[vector<16xi32>, vector<16xi32>], vector<16xf32>,
      %dma_wait3A_455 = arith.constant 0 : i32
      %dma_wait3A_456 = tpu.memref_slice %arg2[%dma_wait3A_455, %multiple_of3A_130] : memref<16x1000000xf32, #tpu.memory_space<hbm>> -> memref<16x128xf32, #tpu.memory_space<hbm>>
      %dma_wait3A_457 = arith.constant 0 : i32
      %dma_wait3A_458 = tpu.memref_slice %arg2[%dma_wait3A_457, %multiple_of3A_130] : memref<16x1000000xf32, #tpu.memory_space<hbm>> -> memref<16x128xf32, #tpu.memory_space<hbm>>
      tpu.wait_dma2 semaphore(%arg39 : memref<!tpu.dma_semaphore, #tpu.memory_space<semaphore_mem>>) src(%dma_wait3A_458 : memref<16x128xf32, #tpu.memory_space<hbm>>) dst(%arg18 : memref<16x128xf32, #tpu.memory_space<vmem>>)
      %slice3A_459 = vector.extract_strided_slice %get3A_20 {offsets = [11], sizes = [1], strides = [1]} : vector<16xi32> to vector<1xi32>
      %squeeze3A_460 = vector.extract %slice3A_459[0] : i32 from vector<1xi32>
      %and3A_461 = arith.constant 127 : i32
      %and3A_462 = arith.andi %squeeze3A_460, %and3A_461 : i32
      %broadcast_in_dim3A_463 = vector.broadcast %and3A_462 : i32 to vector<16xi32>
      %gather3A_464 = tpu.vector_load_idx %arg18[%iota3A, %broadcast_in_dim3A_463] : memref<16x128xf32, #tpu.memory_space<vmem>>[vector<16xi32>, vector<16xi32>], vector<16xf32>,
      %add3A_465 = arith.constant 11 : i32
      %add3A_466 = arith.addi %mul3A_12, %add3A_465 : i32
      %broadcast_in_dim3A_467 = vector.broadcast %add3A_466 : i32 to vector<16xi32>
      tpu.vector_store_idx %arg6[%iota3A, %broadcast_in_dim3A_467], %gather3A_464 : memref<16x512xf32, #tpu.memory_space<vmem>>[vector<16xi32>, vector<16xi32>], vector<16xf32>,
      %dma_wait3A_468 = arith.constant 0 : i32
      %dma_wait3A_469 = tpu.memref_slice %arg2[%dma_wait3A_468, %multiple_of3A_139] : memref<16x1000000xf32, #tpu.memory_space<hbm>> -> memref<16x128xf32, #tpu.memory_space<hbm>>
      %dma_wait3A_470 = arith.constant 0 : i32
      %dma_wait3A_471 = tpu.memref_slice %arg2[%dma_wait3A_470, %multiple_of3A_139] : memref<16x1000000xf32, #tpu.memory_space<hbm>> -> memref<16x128xf32, #tpu.memory_space<hbm>>
      tpu.wait_dma2 semaphore(%arg39 : memref<!tpu.dma_semaphore, #tpu.memory_space<semaphore_mem>>) src(%dma_wait3A_471 : memref<16x128xf32, #tpu.memory_space<hbm>>) dst(%arg19 : memref<16x128xf32, #tpu.memory_space<vmem>>)
      %slice3A_472 = vector.extract_strided_slice %get3A_20 {offsets = [12], sizes = [1], strides = [1]} : vector<16xi32> to vector<1xi32>
      %squeeze3A_473 = vector.extract %slice3A_472[0] : i32 from vector<1xi32>
      %and3A_474 = arith.constant 127 : i32
      %and3A_475 = arith.andi %squeeze3A_473, %and3A_474 : i32
      %broadcast_in_dim3A_476 = vector.broadcast %and3A_475 : i32 to vector<16xi32>
      %gather3A_477 = tpu.vector_load_idx %arg19[%iota3A, %broadcast_in_dim3A_476] : memref<16x128xf32, #tpu.memory_space<vmem>>[vector<16xi32>, vector<16xi32>], vector<16xf32>,
      %add3A_478 = arith.constant 12 : i32
      %add3A_479 = arith.addi %mul3A_12, %add3A_478 : i32
      %broadcast_in_dim3A_480 = vector.broadcast %add3A_479 : i32 to vector<16xi32>
      tpu.vector_store_idx %arg6[%iota3A, %broadcast_in_dim3A_480], %gather3A_477 : memref<16x512xf32, #tpu.memory_space<vmem>>[vector<16xi32>, vector<16xi32>], vector<16xf32>,
      %dma_wait3A_481 = arith.constant 0 : i32
      %dma_wait3A_482 = tpu.memref_slice %arg2[%dma_wait3A_481, %multiple_of3A_148] : memref<16x1000000xf32, #tpu.memory_space<hbm>> -> memref<16x128xf32, #tpu.memory_space<hbm>>
      %dma_wait3A_483 = arith.constant 0 : i32
      %dma_wait3A_484 = tpu.memref_slice %arg2[%dma_wait3A_483, %multiple_of3A_148] : memref<16x1000000xf32, #tpu.memory_space<hbm>> -> memref<16x128xf32, #tpu.memory_space<hbm>>
      tpu.wait_dma2 semaphore(%arg39 : memref<!tpu.dma_semaphore, #tpu.memory_space<semaphore_mem>>) src(%dma_wait3A_484 : memref<16x128xf32, #tpu.memory_space<hbm>>) dst(%arg20 : memref<16x128xf32, #tpu.memory_space<vmem>>)
      %slice3A_485 = vector.extract_strided_slice %get3A_20 {offsets = [13], sizes = [1], strides = [1]} : vector<16xi32> to vector<1xi32>
      %squeeze3A_486 = vector.extract %slice3A_485[0] : i32 from vector<1xi32>
      %and3A_487 = arith.constant 127 : i32
      %and3A_488 = arith.andi %squeeze3A_486, %and3A_487 : i32
      %broadcast_in_dim3A_489 = vector.broadcast %and3A_488 : i32 to vector<16xi32>
      %gather3A_490 = tpu.vector_load_idx %arg20[%iota3A, %broadcast_in_dim3A_489] : memref<16x128xf32, #tpu.memory_space<vmem>>[vector<16xi32>, vector<16xi32>], vector<16xf32>,
      %add3A_491 = arith.constant 13 : i32
      %add3A_492 = arith.addi %mul3A_12, %add3A_491 : i32
      %broadcast_in_dim3A_493 = vector.broadcast %add3A_492 : i32 to vector<16xi32>
      tpu.vector_store_idx %arg6[%iota3A, %broadcast_in_dim3A_493], %gather3A_490 : memref<16x512xf32, #tpu.memory_space<vmem>>[vector<16xi32>, vector<16xi32>], vector<16xf32>,
      %dma_wait3A_494 = arith.constant 0 : i32
      %dma_wait3A_495 = tpu.memref_slice %arg2[%dma_wait3A_494, %multiple_of3A_157] : memref<16x1000000xf32, #tpu.memory_space<hbm>> -> memref<16x128xf32, #tpu.memory_space<hbm>>
      %dma_wait3A_496 = arith.constant 0 : i32
      %dma_wait3A_497 = tpu.memref_slice %arg2[%dma_wait3A_496, %multiple_of3A_157] : memref<16x1000000xf32, #tpu.memory_space<hbm>> -> memref<16x128xf32, #tpu.memory_space<hbm>>
      tpu.wait_dma2 semaphore(%arg39 : memref<!tpu.dma_semaphore, #tpu.memory_space<semaphore_mem>>) src(%dma_wait3A_497 : memref<16x128xf32, #tpu.memory_space<hbm>>) dst(%arg21 : memref<16x128xf32, #tpu.memory_space<vmem>>)
      %slice3A_498 = vector.extract_strided_slice %get3A_20 {offsets = [14], sizes = [1], strides = [1]} : vector<16xi32> to vector<1xi32>
      %squeeze3A_499 = vector.extract %slice3A_498[0] : i32 from vector<1xi32>
      %and3A_500 = arith.constant 127 : i32
      %and3A_501 = arith.andi %squeeze3A_499, %and3A_500 : i32
      %broadcast_in_dim3A_502 = vector.broadcast %and3A_501 : i32 to vector<16xi32>
      %gather3A_503 = tpu.vector_load_idx %arg21[%iota3A, %broadcast_in_dim3A_502] : memref<16x128xf32, #tpu.memory_space<vmem>>[vector<16xi32>, vector<16xi32>], vector<16xf32>,
      %add3A_504 = arith.constant 14 : i32
      %add3A_505 = arith.addi %mul3A_12, %add3A_504 : i32
      %broadcast_in_dim3A_506 = vector.broadcast %add3A_505 : i32 to vector<16xi32>
      tpu.vector_store_idx %arg6[%iota3A, %broadcast_in_dim3A_506], %gather3A_503 : memref<16x512xf32, #tpu.memory_space<vmem>>[vector<16xi32>, vector<16xi32>], vector<16xf32>,
      %dma_wait3A_507 = arith.constant 0 : i32
      %dma_wait3A_508 = tpu.memref_slice %arg2[%dma_wait3A_507, %multiple_of3A_166] : memref<16x1000000xf32, #tpu.memory_space<hbm>> -> memref<16x128xf32, #tpu.memory_space<hbm>>
      %dma_wait3A_509 = arith.constant 0 : i32
      %dma_wait3A_510 = tpu.memref_slice %arg2[%dma_wait3A_509, %multiple_of3A_166] : memref<16x1000000xf32, #tpu.memory_space<hbm>> -> memref<16x128xf32, #tpu.memory_space<hbm>>
      tpu.wait_dma2 semaphore(%arg39 : memref<!tpu.dma_semaphore, #tpu.memory_space<semaphore_mem>>) src(%dma_wait3A_510 : memref<16x128xf32, #tpu.memory_space<hbm>>) dst(%arg22 : memref<16x128xf32, #tpu.memory_space<vmem>>)
      %slice3A_511 = vector.extract_strided_slice %get3A_20 {offsets = [15], sizes = [1], strides = [1]} : vector<16xi32> to vector<1xi32>
      %squeeze3A_512 = vector.extract %slice3A_511[0] : i32 from vector<1xi32>
      %and3A_513 = arith.constant 127 : i32
      %and3A_514 = arith.andi %squeeze3A_512, %and3A_513 : i32
      %broadcast_in_dim3A_515 = vector.broadcast %and3A_514 : i32 to vector<16xi32>
      %gather3A_516 = tpu.vector_load_idx %arg22[%iota3A, %broadcast_in_dim3A_515] : memref<16x128xf32, #tpu.memory_space<vmem>>[vector<16xi32>, vector<16xi32>], vector<16xf32>,
      %add3A_517 = arith.constant 15 : i32
      %add3A_518 = arith.addi %mul3A_12, %add3A_517 : i32
      %broadcast_in_dim3A_519 = vector.broadcast %add3A_518 : i32 to vector<16xi32>
      tpu.vector_store_idx %arg6[%iota3A, %broadcast_in_dim3A_519], %gather3A_516 : memref<16x512xf32, #tpu.memory_space<vmem>>[vector<16xi32>, vector<16xi32>], vector<16xf32>,
      %dma_wait3A_520 = arith.constant 0 : i32
      %dma_wait3A_521 = tpu.memref_slice %arg2[%dma_wait3A_520, %multiple_of3A_175] : memref<16x1000000xf32, #tpu.memory_space<hbm>> -> memref<16x128xf32, #tpu.memory_space<hbm>>
      %dma_wait3A_522 = arith.constant 0 : i32
      %dma_wait3A_523 = tpu.memref_slice %arg2[%dma_wait3A_522, %multiple_of3A_175] : memref<16x1000000xf32, #tpu.memory_space<hbm>> -> memref<16x128xf32, #tpu.memory_space<hbm>>
      tpu.wait_dma2 semaphore(%arg39 : memref<!tpu.dma_semaphore, #tpu.memory_space<semaphore_mem>>) src(%dma_wait3A_523 : memref<16x128xf32, #tpu.memory_space<hbm>>) dst(%arg23 : memref<16x128xf32, #tpu.memory_space<vmem>>)
      %slice3A_524 = vector.extract_strided_slice %get3A_31 {offsets = [0], sizes = [1], strides = [1]} : vector<16xi32> to vector<1xi32>
      %squeeze3A_525 = vector.extract %slice3A_524[0] : i32 from vector<1xi32>
      %and3A_526 = arith.constant 127 : i32
      %and3A_527 = arith.andi %squeeze3A_525, %and3A_526 : i32
      %broadcast_in_dim3A_528 = vector.broadcast %and3A_527 : i32 to vector<16xi32>
      %gather3A_529 = tpu.vector_load_idx %arg23[%iota3A, %broadcast_in_dim3A_528] : memref<16x128xf32, #tpu.memory_space<vmem>>[vector<16xi32>, vector<16xi32>], vector<16xf32>,
      %add3A_530 = arith.constant 16 : i32
      %add3A_531 = arith.addi %mul3A_12, %add3A_530 : i32
      %broadcast_in_dim3A_532 = vector.broadcast %add3A_531 : i32 to vector<16xi32>
      tpu.vector_store_idx %arg6[%iota3A, %broadcast_in_dim3A_532], %gather3A_529 : memref<16x512xf32, #tpu.memory_space<vmem>>[vector<16xi32>, vector<16xi32>], vector<16xf32>,
      %dma_wait3A_533 = arith.constant 0 : i32
      %dma_wait3A_534 = tpu.memref_slice %arg2[%dma_wait3A_533, %multiple_of3A_184] : memref<16x1000000xf32, #tpu.memory_space<hbm>> -> memref<16x128xf32, #tpu.memory_space<hbm>>
      %dma_wait3A_535 = arith.constant 0 : i32
      %dma_wait3A_536 = tpu.memref_slice %arg2[%dma_wait3A_535, %multiple_of3A_184] : memref<16x1000000xf32, #tpu.memory_space<hbm>> -> memref<16x128xf32, #tpu.memory_space<hbm>>
      tpu.wait_dma2 semaphore(%arg39 : memref<!tpu.dma_semaphore, #tpu.memory_space<semaphore_mem>>) src(%dma_wait3A_536 : memref<16x128xf32, #tpu.memory_space<hbm>>) dst(%arg24 : memref<16x128xf32, #tpu.memory_space<vmem>>)
      %slice3A_537 = vector.extract_strided_slice %get3A_31 {offsets = [1], sizes = [1], strides = [1]} : vector<16xi32> to vector<1xi32>
      %squeeze3A_538 = vector.extract %slice3A_537[0] : i32 from vector<1xi32>
      %and3A_539 = arith.constant 127 : i32
      %and3A_540 = arith.andi %squeeze3A_538, %and3A_539 : i32
      %broadcast_in_dim3A_541 = vector.broadcast %and3A_540 : i32 to vector<16xi32>
      %gather3A_542 = tpu.vector_load_idx %arg24[%iota3A, %broadcast_in_dim3A_541] : memref<16x128xf32, #tpu.memory_space<vmem>>[vector<16xi32>, vector<16xi32>], vector<16xf32>,
      %add3A_543 = arith.constant 17 : i32
      %add3A_544 = arith.addi %mul3A_12, %add3A_543 : i32
      %broadcast_in_dim3A_545 = vector.broadcast %add3A_544 : i32 to vector<16xi32>
      tpu.vector_store_idx %arg6[%iota3A, %broadcast_in_dim3A_545], %gather3A_542 : memref<16x512xf32, #tpu.memory_space<vmem>>[vector<16xi32>, vector<16xi32>], vector<16xf32>,
      %dma_wait3A_546 = arith.constant 0 : i32
      %dma_wait3A_547 = tpu.memref_slice %arg2[%dma_wait3A_546, %multiple_of3A_193] : memref<16x1000000xf32, #tpu.memory_space<hbm>> -> memref<16x128xf32, #tpu.memory_space<hbm>>
      %dma_wait3A_548 = arith.constant 0 : i32
      %dma_wait3A_549 = tpu.memref_slice %arg2[%dma_wait3A_548, %multiple_of3A_193] : memref<16x1000000xf32, #tpu.memory_space<hbm>> -> memref<16x128xf32, #tpu.memory_space<hbm>>
      tpu.wait_dma2 semaphore(%arg39 : memref<!tpu.dma_semaphore, #tpu.memory_space<semaphore_mem>>) src(%dma_wait3A_549 : memref<16x128xf32, #tpu.memory_space<hbm>>) dst(%arg25 : memref<16x128xf32, #tpu.memory_space<vmem>>)
      %slice3A_550 = vector.extract_strided_slice %get3A_31 {offsets = [2], sizes = [1], strides = [1]} : vector<16xi32> to vector<1xi32>
      %squeeze3A_551 = vector.extract %slice3A_550[0] : i32 from vector<1xi32>
      %and3A_552 = arith.constant 127 : i32
      %and3A_553 = arith.andi %squeeze3A_551, %and3A_552 : i32
      %broadcast_in_dim3A_554 = vector.broadcast %and3A_553 : i32 to vector<16xi32>
      %gather3A_555 = tpu.vector_load_idx %arg25[%iota3A, %broadcast_in_dim3A_554] : memref<16x128xf32, #tpu.memory_space<vmem>>[vector<16xi32>, vector<16xi32>], vector<16xf32>,
      %add3A_556 = arith.constant 18 : i32
      %add3A_557 = arith.addi %mul3A_12, %add3A_556 : i32
      %broadcast_in_dim3A_558 = vector.broadcast %add3A_557 : i32 to vector<16xi32>
      tpu.vector_store_idx %arg6[%iota3A, %broadcast_in_dim3A_558], %gather3A_555 : memref<16x512xf32, #tpu.memory_space<vmem>>[vector<16xi32>, vector<16xi32>], vector<16xf32>,
      %dma_wait3A_559 = arith.constant 0 : i32
      %dma_wait3A_560 = tpu.memref_slice %arg2[%dma_wait3A_559, %multiple_of3A_202] : memref<16x1000000xf32, #tpu.memory_space<hbm>> -> memref<16x128xf32, #tpu.memory_space<hbm>>
      %dma_wait3A_561 = arith.constant 0 : i32
      %dma_wait3A_562 = tpu.memref_slice %arg2[%dma_wait3A_561, %multiple_of3A_202] : memref<16x1000000xf32, #tpu.memory_space<hbm>> -> memref<16x128xf32, #tpu.memory_space<hbm>>
      tpu.wait_dma2 semaphore(%arg39 : memref<!tpu.dma_semaphore, #tpu.memory_space<semaphore_mem>>) src(%dma_wait3A_562 : memref<16x128xf32, #tpu.memory_space<hbm>>) dst(%arg26 : memref<16x128xf32, #tpu.memory_space<vmem>>)
      %slice3A_563 = vector.extract_strided_slice %get3A_31 {offsets = [3], sizes = [1], strides = [1]} : vector<16xi32> to vector<1xi32>
      %squeeze3A_564 = vector.extract %slice3A_563[0] : i32 from vector<1xi32>
      %and3A_565 = arith.constant 127 : i32
      %and3A_566 = arith.andi %squeeze3A_564, %and3A_565 : i32
      %broadcast_in_dim3A_567 = vector.broadcast %and3A_566 : i32 to vector<16xi32>
      %gather3A_568 = tpu.vector_load_idx %arg26[%iota3A, %broadcast_in_dim3A_567] : memref<16x128xf32, #tpu.memory_space<vmem>>[vector<16xi32>, vector<16xi32>], vector<16xf32>,
      %add3A_569 = arith.constant 19 : i32
      %add3A_570 = arith.addi %mul3A_12, %add3A_569 : i32
      %broadcast_in_dim3A_571 = vector.broadcast %add3A_570 : i32 to vector<16xi32>
      tpu.vector_store_idx %arg6[%iota3A, %broadcast_in_dim3A_571], %gather3A_568 : memref<16x512xf32, #tpu.memory_space<vmem>>[vector<16xi32>, vector<16xi32>], vector<16xf32>,
      %dma_wait3A_572 = arith.constant 0 : i32
      %dma_wait3A_573 = tpu.memref_slice %arg2[%dma_wait3A_572, %multiple_of3A_211] : memref<16x1000000xf32, #tpu.memory_space<hbm>> -> memref<16x128xf32, #tpu.memory_space<hbm>>
      %dma_wait3A_574 = arith.constant 0 : i32
      %dma_wait3A_575 = tpu.memref_slice %arg2[%dma_wait3A_574, %multiple_of3A_211] : memref<16x1000000xf32, #tpu.memory_space<hbm>> -> memref<16x128xf32, #tpu.memory_space<hbm>>
      tpu.wait_dma2 semaphore(%arg39 : memref<!tpu.dma_semaphore, #tpu.memory_space<semaphore_mem>>) src(%dma_wait3A_575 : memref<16x128xf32, #tpu.memory_space<hbm>>) dst(%arg27 : memref<16x128xf32, #tpu.memory_space<vmem>>)
      %slice3A_576 = vector.extract_strided_slice %get3A_31 {offsets = [4], sizes = [1], strides = [1]} : vector<16xi32> to vector<1xi32>
      %squeeze3A_577 = vector.extract %slice3A_576[0] : i32 from vector<1xi32>
      %and3A_578 = arith.constant 127 : i32
      %and3A_579 = arith.andi %squeeze3A_577, %and3A_578 : i32
      %broadcast_in_dim3A_580 = vector.broadcast %and3A_579 : i32 to vector<16xi32>
      %gather3A_581 = tpu.vector_load_idx %arg27[%iota3A, %broadcast_in_dim3A_580] : memref<16x128xf32, #tpu.memory_space<vmem>>[vector<16xi32>, vector<16xi32>], vector<16xf32>,
      %add3A_582 = arith.constant 20 : i32
      %add3A_583 = arith.addi %mul3A_12, %add3A_582 : i32
      %broadcast_in_dim3A_584 = vector.broadcast %add3A_583 : i32 to vector<16xi32>
      tpu.vector_store_idx %arg6[%iota3A, %broadcast_in_dim3A_584], %gather3A_581 : memref<16x512xf32, #tpu.memory_space<vmem>>[vector<16xi32>, vector<16xi32>], vector<16xf32>,
      %dma_wait3A_585 = arith.constant 0 : i32
      %dma_wait3A_586 = tpu.memref_slice %arg2[%dma_wait3A_585, %multiple_of3A_220] : memref<16x1000000xf32, #tpu.memory_space<hbm>> -> memref<16x128xf32, #tpu.memory_space<hbm>>
      %dma_wait3A_587 = arith.constant 0 : i32
      %dma_wait3A_588 = tpu.memref_slice %arg2[%dma_wait3A_587, %multiple_of3A_220] : memref<16x1000000xf32, #tpu.memory_space<hbm>> -> memref<16x128xf32, #tpu.memory_space<hbm>>
      tpu.wait_dma2 semaphore(%arg39 : memref<!tpu.dma_semaphore, #tpu.memory_space<semaphore_mem>>) src(%dma_wait3A_588 : memref<16x128xf32, #tpu.memory_space<hbm>>) dst(%arg28 : memref<16x128xf32, #tpu.memory_space<vmem>>)
      %slice3A_589 = vector.extract_strided_slice %get3A_31 {offsets = [5], sizes = [1], strides = [1]} : vector<16xi32> to vector<1xi32>
      %squeeze3A_590 = vector.extract %slice3A_589[0] : i32 from vector<1xi32>
      %and3A_591 = arith.constant 127 : i32
      %and3A_592 = arith.andi %squeeze3A_590, %and3A_591 : i32
      %broadcast_in_dim3A_593 = vector.broadcast %and3A_592 : i32 to vector<16xi32>
      %gather3A_594 = tpu.vector_load_idx %arg28[%iota3A, %broadcast_in_dim3A_593] : memref<16x128xf32, #tpu.memory_space<vmem>>[vector<16xi32>, vector<16xi32>], vector<16xf32>,
      %add3A_595 = arith.constant 21 : i32
      %add3A_596 = arith.addi %mul3A_12, %add3A_595 : i32
      %broadcast_in_dim3A_597 = vector.broadcast %add3A_596 : i32 to vector<16xi32>
      tpu.vector_store_idx %arg6[%iota3A, %broadcast_in_dim3A_597], %gather3A_594 : memref<16x512xf32, #tpu.memory_space<vmem>>[vector<16xi32>, vector<16xi32>], vector<16xf32>,
      %dma_wait3A_598 = arith.constant 0 : i32
      %dma_wait3A_599 = tpu.memref_slice %arg2[%dma_wait3A_598, %multiple_of3A_229] : memref<16x1000000xf32, #tpu.memory_space<hbm>> -> memref<16x128xf32, #tpu.memory_space<hbm>>
      %dma_wait3A_600 = arith.constant 0 : i32
      %dma_wait3A_601 = tpu.memref_slice %arg2[%dma_wait3A_600, %multiple_of3A_229] : memref<16x1000000xf32, #tpu.memory_space<hbm>> -> memref<16x128xf32, #tpu.memory_space<hbm>>
      tpu.wait_dma2 semaphore(%arg39 : memref<!tpu.dma_semaphore, #tpu.memory_space<semaphore_mem>>) src(%dma_wait3A_601 : memref<16x128xf32, #tpu.memory_space<hbm>>) dst(%arg29 : memref<16x128xf32, #tpu.memory_space<vmem>>)
      %slice3A_602 = vector.extract_strided_slice %get3A_31 {offsets = [6], sizes = [1], strides = [1]} : vector<16xi32> to vector<1xi32>
      %squeeze3A_603 = vector.extract %slice3A_602[0] : i32 from vector<1xi32>
      %and3A_604 = arith.constant 127 : i32
      %and3A_605 = arith.andi %squeeze3A_603, %and3A_604 : i32
      %broadcast_in_dim3A_606 = vector.broadcast %and3A_605 : i32 to vector<16xi32>
      %gather3A_607 = tpu.vector_load_idx %arg29[%iota3A, %broadcast_in_dim3A_606] : memref<16x128xf32, #tpu.memory_space<vmem>>[vector<16xi32>, vector<16xi32>], vector<16xf32>,
      %add3A_608 = arith.constant 22 : i32
      %add3A_609 = arith.addi %mul3A_12, %add3A_608 : i32
      %broadcast_in_dim3A_610 = vector.broadcast %add3A_609 : i32 to vector<16xi32>
      tpu.vector_store_idx %arg6[%iota3A, %broadcast_in_dim3A_610], %gather3A_607 : memref<16x512xf32, #tpu.memory_space<vmem>>[vector<16xi32>, vector<16xi32>], vector<16xf32>,
      %dma_wait3A_611 = arith.constant 0 : i32
      %dma_wait3A_612 = tpu.memref_slice %arg2[%dma_wait3A_611, %multiple_of3A_238] : memref<16x1000000xf32, #tpu.memory_space<hbm>> -> memref<16x128xf32, #tpu.memory_space<hbm>>
      %dma_wait3A_613 = arith.constant 0 : i32
      %dma_wait3A_614 = tpu.memref_slice %arg2[%dma_wait3A_613, %multiple_of3A_238] : memref<16x1000000xf32, #tpu.memory_space<hbm>> -> memref<16x128xf32, #tpu.memory_space<hbm>>
      tpu.wait_dma2 semaphore(%arg39 : memref<!tpu.dma_semaphore, #tpu.memory_space<semaphore_mem>>) src(%dma_wait3A_614 : memref<16x128xf32, #tpu.memory_space<hbm>>) dst(%arg30 : memref<16x128xf32, #tpu.memory_space<vmem>>)
      %slice3A_615 = vector.extract_strided_slice %get3A_31 {offsets = [7], sizes = [1], strides = [1]} : vector<16xi32> to vector<1xi32>
      %squeeze3A_616 = vector.extract %slice3A_615[0] : i32 from vector<1xi32>
      %and3A_617 = arith.constant 127 : i32
      %and3A_618 = arith.andi %squeeze3A_616, %and3A_617 : i32
      %broadcast_in_dim3A_619 = vector.broadcast %and3A_618 : i32 to vector<16xi32>
      %gather3A_620 = tpu.vector_load_idx %arg30[%iota3A, %broadcast_in_dim3A_619] : memref<16x128xf32, #tpu.memory_space<vmem>>[vector<16xi32>, vector<16xi32>], vector<16xf32>,
      %add3A_621 = arith.constant 23 : i32
      %add3A_622 = arith.addi %mul3A_12, %add3A_621 : i32
      %broadcast_in_dim3A_623 = vector.broadcast %add3A_622 : i32 to vector<16xi32>
      tpu.vector_store_idx %arg6[%iota3A, %broadcast_in_dim3A_623], %gather3A_620 : memref<16x512xf32, #tpu.memory_space<vmem>>[vector<16xi32>, vector<16xi32>], vector<16xf32>,
      %dma_wait3A_624 = arith.constant 0 : i32
      %dma_wait3A_625 = tpu.memref_slice %arg2[%dma_wait3A_624, %multiple_of3A_247] : memref<16x1000000xf32, #tpu.memory_space<hbm>> -> memref<16x128xf32, #tpu.memory_space<hbm>>
      %dma_wait3A_626 = arith.constant 0 : i32
      %dma_wait3A_627 = tpu.memref_slice %arg2[%dma_wait3A_626, %multiple_of3A_247] : memref<16x1000000xf32, #tpu.memory_space<hbm>> -> memref<16x128xf32, #tpu.memory_space<hbm>>
      tpu.wait_dma2 semaphore(%arg39 : memref<!tpu.dma_semaphore, #tpu.memory_space<semaphore_mem>>) src(%dma_wait3A_627 : memref<16x128xf32, #tpu.memory_space<hbm>>) dst(%arg31 : memref<16x128xf32, #tpu.memory_space<vmem>>)
      %slice3A_628 = vector.extract_strided_slice %get3A_31 {offsets = [8], sizes = [1], strides = [1]} : vector<16xi32> to vector<1xi32>
      %squeeze3A_629 = vector.extract %slice3A_628[0] : i32 from vector<1xi32>
      %and3A_630 = arith.constant 127 : i32
      %and3A_631 = arith.andi %squeeze3A_629, %and3A_630 : i32
      %broadcast_in_dim3A_632 = vector.broadcast %and3A_631 : i32 to vector<16xi32>
      %gather3A_633 = tpu.vector_load_idx %arg31[%iota3A, %broadcast_in_dim3A_632] : memref<16x128xf32, #tpu.memory_space<vmem>>[vector<16xi32>, vector<16xi32>], vector<16xf32>,
      %add3A_634 = arith.constant 24 : i32
      %add3A_635 = arith.addi %mul3A_12, %add3A_634 : i32
      %broadcast_in_dim3A_636 = vector.broadcast %add3A_635 : i32 to vector<16xi32>
      tpu.vector_store_idx %arg6[%iota3A, %broadcast_in_dim3A_636], %gather3A_633 : memref<16x512xf32, #tpu.memory_space<vmem>>[vector<16xi32>, vector<16xi32>], vector<16xf32>,
      %dma_wait3A_637 = arith.constant 0 : i32
      %dma_wait3A_638 = tpu.memref_slice %arg2[%dma_wait3A_637, %multiple_of3A_256] : memref<16x1000000xf32, #tpu.memory_space<hbm>> -> memref<16x128xf32, #tpu.memory_space<hbm>>
      %dma_wait3A_639 = arith.constant 0 : i32
      %dma_wait3A_640 = tpu.memref_slice %arg2[%dma_wait3A_639, %multiple_of3A_256] : memref<16x1000000xf32, #tpu.memory_space<hbm>> -> memref<16x128xf32, #tpu.memory_space<hbm>>
      tpu.wait_dma2 semaphore(%arg39 : memref<!tpu.dma_semaphore, #tpu.memory_space<semaphore_mem>>) src(%dma_wait3A_640 : memref<16x128xf32, #tpu.memory_space<hbm>>) dst(%arg32 : memref<16x128xf32, #tpu.memory_space<vmem>>)
      %slice3A_641 = vector.extract_strided_slice %get3A_31 {offsets = [9], sizes = [1], strides = [1]} : vector<16xi32> to vector<1xi32>
      %squeeze3A_642 = vector.extract %slice3A_641[0] : i32 from vector<1xi32>
      %and3A_643 = arith.constant 127 : i32
      %and3A_644 = arith.andi %squeeze3A_642, %and3A_643 : i32
      %broadcast_in_dim3A_645 = vector.broadcast %and3A_644 : i32 to vector<16xi32>
      %gather3A_646 = tpu.vector_load_idx %arg32[%iota3A, %broadcast_in_dim3A_645] : memref<16x128xf32, #tpu.memory_space<vmem>>[vector<16xi32>, vector<16xi32>], vector<16xf32>,
      %add3A_647 = arith.constant 25 : i32
      %add3A_648 = arith.addi %mul3A_12, %add3A_647 : i32
      %broadcast_in_dim3A_649 = vector.broadcast %add3A_648 : i32 to vector<16xi32>
      tpu.vector_store_idx %arg6[%iota3A, %broadcast_in_dim3A_649], %gather3A_646 : memref<16x512xf32, #tpu.memory_space<vmem>>[vector<16xi32>, vector<16xi32>], vector<16xf32>,
      %dma_wait3A_650 = arith.constant 0 : i32
      %dma_wait3A_651 = tpu.memref_slice %arg2[%dma_wait3A_650, %multiple_of3A_265] : memref<16x1000000xf32, #tpu.memory_space<hbm>> -> memref<16x128xf32, #tpu.memory_space<hbm>>
      %dma_wait3A_652 = arith.constant 0 : i32
      %dma_wait3A_653 = tpu.memref_slice %arg2[%dma_wait3A_652, %multiple_of3A_265] : memref<16x1000000xf32, #tpu.memory_space<hbm>> -> memref<16x128xf32, #tpu.memory_space<hbm>>
      tpu.wait_dma2 semaphore(%arg39 : memref<!tpu.dma_semaphore, #tpu.memory_space<semaphore_mem>>) src(%dma_wait3A_653 : memref<16x128xf32, #tpu.memory_space<hbm>>) dst(%arg33 : memref<16x128xf32, #tpu.memory_space<vmem>>)
      %slice3A_654 = vector.extract_strided_slice %get3A_31 {offsets = [10], sizes = [1], strides = [1]} : vector<16xi32> to vector<1xi32>
      %squeeze3A_655 = vector.extract %slice3A_654[0] : i32 from vector<1xi32>
      %and3A_656 = arith.constant 127 : i32
      %and3A_657 = arith.andi %squeeze3A_655, %and3A_656 : i32
      %broadcast_in_dim3A_658 = vector.broadcast %and3A_657 : i32 to vector<16xi32>
      %gather3A_659 = tpu.vector_load_idx %arg33[%iota3A, %broadcast_in_dim3A_658] : memref<16x128xf32, #tpu.memory_space<vmem>>[vector<16xi32>, vector<16xi32>], vector<16xf32>,
      %add3A_660 = arith.constant 26 : i32
      %add3A_661 = arith.addi %mul3A_12, %add3A_660 : i32
      %broadcast_in_dim3A_662 = vector.broadcast %add3A_661 : i32 to vector<16xi32>
      tpu.vector_store_idx %arg6[%iota3A, %broadcast_in_dim3A_662], %gather3A_659 : memref<16x512xf32, #tpu.memory_space<vmem>>[vector<16xi32>, vector<16xi32>], vector<16xf32>,
      %dma_wait3A_663 = arith.constant 0 : i32
      %dma_wait3A_664 = tpu.memref_slice %arg2[%dma_wait3A_663, %multiple_of3A_274] : memref<16x1000000xf32, #tpu.memory_space<hbm>> -> memref<16x128xf32, #tpu.memory_space<hbm>>
      %dma_wait3A_665 = arith.constant 0 : i32
      %dma_wait3A_666 = tpu.memref_slice %arg2[%dma_wait3A_665, %multiple_of3A_274] : memref<16x1000000xf32, #tpu.memory_space<hbm>> -> memref<16x128xf32, #tpu.memory_space<hbm>>
      tpu.wait_dma2 semaphore(%arg39 : memref<!tpu.dma_semaphore, #tpu.memory_space<semaphore_mem>>) src(%dma_wait3A_666 : memref<16x128xf32, #tpu.memory_space<hbm>>) dst(%arg34 : memref<16x128xf32, #tpu.memory_space<vmem>>)
      %slice3A_667 = vector.extract_strided_slice %get3A_31 {offsets = [11], sizes = [1], strides = [1]} : vector<16xi32> to vector<1xi32>
      %squeeze3A_668 = vector.extract %slice3A_667[0] : i32 from vector<1xi32>
      %and3A_669 = arith.constant 127 : i32
      %and3A_670 = arith.andi %squeeze3A_668, %and3A_669 : i32
      %broadcast_in_dim3A_671 = vector.broadcast %and3A_670 : i32 to vector<16xi32>
      %gather3A_672 = tpu.vector_load_idx %arg34[%iota3A, %broadcast_in_dim3A_671] : memref<16x128xf32, #tpu.memory_space<vmem>>[vector<16xi32>, vector<16xi32>], vector<16xf32>,
      %add3A_673 = arith.constant 27 : i32
      %add3A_674 = arith.addi %mul3A_12, %add3A_673 : i32
      %broadcast_in_dim3A_675 = vector.broadcast %add3A_674 : i32 to vector<16xi32>
      tpu.vector_store_idx %arg6[%iota3A, %broadcast_in_dim3A_675], %gather3A_672 : memref<16x512xf32, #tpu.memory_space<vmem>>[vector<16xi32>, vector<16xi32>], vector<16xf32>,
      %dma_wait3A_676 = arith.constant 0 : i32
      %dma_wait3A_677 = tpu.memref_slice %arg2[%dma_wait3A_676, %multiple_of3A_283] : memref<16x1000000xf32, #tpu.memory_space<hbm>> -> memref<16x128xf32, #tpu.memory_space<hbm>>
      %dma_wait3A_678 = arith.constant 0 : i32
      %dma_wait3A_679 = tpu.memref_slice %arg2[%dma_wait3A_678, %multiple_of3A_283] : memref<16x1000000xf32, #tpu.memory_space<hbm>> -> memref<16x128xf32, #tpu.memory_space<hbm>>
      tpu.wait_dma2 semaphore(%arg39 : memref<!tpu.dma_semaphore, #tpu.memory_space<semaphore_mem>>) src(%dma_wait3A_679 : memref<16x128xf32, #tpu.memory_space<hbm>>) dst(%arg35 : memref<16x128xf32, #tpu.memory_space<vmem>>)
      %slice3A_680 = vector.extract_strided_slice %get3A_31 {offsets = [12], sizes = [1], strides = [1]} : vector<16xi32> to vector<1xi32>
      %squeeze3A_681 = vector.extract %slice3A_680[0] : i32 from vector<1xi32>
      %and3A_682 = arith.constant 127 : i32
      %and3A_683 = arith.andi %squeeze3A_681, %and3A_682 : i32
      %broadcast_in_dim3A_684 = vector.broadcast %and3A_683 : i32 to vector<16xi32>
      %gather3A_685 = tpu.vector_load_idx %arg35[%iota3A, %broadcast_in_dim3A_684] : memref<16x128xf32, #tpu.memory_space<vmem>>[vector<16xi32>, vector<16xi32>], vector<16xf32>,
      %add3A_686 = arith.constant 28 : i32
      %add3A_687 = arith.addi %mul3A_12, %add3A_686 : i32
      %broadcast_in_dim3A_688 = vector.broadcast %add3A_687 : i32 to vector<16xi32>
      tpu.vector_store_idx %arg6[%iota3A, %broadcast_in_dim3A_688], %gather3A_685 : memref<16x512xf32, #tpu.memory_space<vmem>>[vector<16xi32>, vector<16xi32>], vector<16xf32>,
      %dma_wait3A_689 = arith.constant 0 : i32
      %dma_wait3A_690 = tpu.memref_slice %arg2[%dma_wait3A_689, %multiple_of3A_292] : memref<16x1000000xf32, #tpu.memory_space<hbm>> -> memref<16x128xf32, #tpu.memory_space<hbm>>
      %dma_wait3A_691 = arith.constant 0 : i32
      %dma_wait3A_692 = tpu.memref_slice %arg2[%dma_wait3A_691, %multiple_of3A_292] : memref<16x1000000xf32, #tpu.memory_space<hbm>> -> memref<16x128xf32, #tpu.memory_space<hbm>>
      tpu.wait_dma2 semaphore(%arg39 : memref<!tpu.dma_semaphore, #tpu.memory_space<semaphore_mem>>) src(%dma_wait3A_692 : memref<16x128xf32, #tpu.memory_space<hbm>>) dst(%arg36 : memref<16x128xf32, #tpu.memory_space<vmem>>)
      %slice3A_693 = vector.extract_strided_slice %get3A_31 {offsets = [13], sizes = [1], strides = [1]} : vector<16xi32> to vector<1xi32>
      %squeeze3A_694 = vector.extract %slice3A_693[0] : i32 from vector<1xi32>
      %and3A_695 = arith.constant 127 : i32
      %and3A_696 = arith.andi %squeeze3A_694, %and3A_695 : i32
      %broadcast_in_dim3A_697 = vector.broadcast %and3A_696 : i32 to vector<16xi32>
      %gather3A_698 = tpu.vector_load_idx %arg36[%iota3A, %broadcast_in_dim3A_697] : memref<16x128xf32, #tpu.memory_space<vmem>>[vector<16xi32>, vector<16xi32>], vector<16xf32>,
      %add3A_699 = arith.constant 29 : i32
      %add3A_700 = arith.addi %mul3A_12, %add3A_699 : i32
      %broadcast_in_dim3A_701 = vector.broadcast %add3A_700 : i32 to vector<16xi32>
      tpu.vector_store_idx %arg6[%iota3A, %broadcast_in_dim3A_701], %gather3A_698 : memref<16x512xf32, #tpu.memory_space<vmem>>[vector<16xi32>, vector<16xi32>], vector<16xf32>,
      %dma_wait3A_702 = arith.constant 0 : i32
      %dma_wait3A_703 = tpu.memref_slice %arg2[%dma_wait3A_702, %multiple_of3A_301] : memref<16x1000000xf32, #tpu.memory_space<hbm>> -> memref<16x128xf32, #tpu.memory_space<hbm>>
      %dma_wait3A_704 = arith.constant 0 : i32
      %dma_wait3A_705 = tpu.memref_slice %arg2[%dma_wait3A_704, %multiple_of3A_301] : memref<16x1000000xf32, #tpu.memory_space<hbm>> -> memref<16x128xf32, #tpu.memory_space<hbm>>
      tpu.wait_dma2 semaphore(%arg39 : memref<!tpu.dma_semaphore, #tpu.memory_space<semaphore_mem>>) src(%dma_wait3A_705 : memref<16x128xf32, #tpu.memory_space<hbm>>) dst(%arg37 : memref<16x128xf32, #tpu.memory_space<vmem>>)
      %slice3A_706 = vector.extract_strided_slice %get3A_31 {offsets = [14], sizes = [1], strides = [1]} : vector<16xi32> to vector<1xi32>
      %squeeze3A_707 = vector.extract %slice3A_706[0] : i32 from vector<1xi32>
      %and3A_708 = arith.constant 127 : i32
      %and3A_709 = arith.andi %squeeze3A_707, %and3A_708 : i32
      %broadcast_in_dim3A_710 = vector.broadcast %and3A_709 : i32 to vector<16xi32>
      %gather3A_711 = tpu.vector_load_idx %arg37[%iota3A, %broadcast_in_dim3A_710] : memref<16x128xf32, #tpu.memory_space<vmem>>[vector<16xi32>, vector<16xi32>], vector<16xf32>,
      %add3A_712 = arith.constant 30 : i32
      %add3A_713 = arith.addi %mul3A_12, %add3A_712 : i32
      %broadcast_in_dim3A_714 = vector.broadcast %add3A_713 : i32 to vector<16xi32>
      tpu.vector_store_idx %arg6[%iota3A, %broadcast_in_dim3A_714], %gather3A_711 : memref<16x512xf32, #tpu.memory_space<vmem>>[vector<16xi32>, vector<16xi32>], vector<16xf32>,
      %dma_wait3A_715 = arith.constant 0 : i32
      %dma_wait3A_716 = tpu.memref_slice %arg2[%dma_wait3A_715, %multiple_of3A_310] : memref<16x1000000xf32, #tpu.memory_space<hbm>> -> memref<16x128xf32, #tpu.memory_space<hbm>>
      %dma_wait3A_717 = arith.constant 0 : i32
      %dma_wait3A_718 = tpu.memref_slice %arg2[%dma_wait3A_717, %multiple_of3A_310] : memref<16x1000000xf32, #tpu.memory_space<hbm>> -> memref<16x128xf32, #tpu.memory_space<hbm>>
      tpu.wait_dma2 semaphore(%arg39 : memref<!tpu.dma_semaphore, #tpu.memory_space<semaphore_mem>>) src(%dma_wait3A_718 : memref<16x128xf32, #tpu.memory_space<hbm>>) dst(%arg38 : memref<16x128xf32, #tpu.memory_space<vmem>>)
      %slice3A_719 = vector.extract_strided_slice %get3A_31 {offsets = [15], sizes = [1], strides = [1]} : vector<16xi32> to vector<1xi32>
      %squeeze3A_720 = vector.extract %slice3A_719[0] : i32 from vector<1xi32>
      %and3A_721 = arith.constant 127 : i32
      %and3A_722 = arith.andi %squeeze3A_720, %and3A_721 : i32
      %broadcast_in_dim3A_723 = vector.broadcast %and3A_722 : i32 to vector<16xi32>
      %gather3A_724 = tpu.vector_load_idx %arg38[%iota3A, %broadcast_in_dim3A_723] : memref<16x128xf32, #tpu.memory_space<vmem>>[vector<16xi32>, vector<16xi32>], vector<16xf32>,
      %add3A_725 = arith.constant 31 : i32
      %add3A_726 = arith.addi %mul3A_12, %add3A_725 : i32
      %broadcast_in_dim3A_727 = vector.broadcast %add3A_726 : i32 to vector<16xi32>
      tpu.vector_store_idx %arg6[%iota3A, %broadcast_in_dim3A_727], %gather3A_724 : memref<16x512xf32, #tpu.memory_space<vmem>>[vector<16xi32>, vector<16xi32>], vector<16xf32>,
    }
    %scan3A_9 = arith.constant 16 : i32
    "tpu.region"() ({
      %run_scoped3A = tpu.sem_alloc : memref<!tpu.dma_semaphore, #tpu.memory_space<semaphore_mem>>
      %dma_start3A = arith.constant 0 : i32
      %dma_start3A_10 = tpu.memref_slice %arg4[%dma_start3A, %mul3A_2] : memref<16x16384xf32, #tpu.memory_space<hbm>> -> memref<16x512xf32, #tpu.memory_space<hbm>>
      %dma_start3A_11 = arith.constant 0 : i32
      %dma_start3A_12 = tpu.memref_slice %arg4[%dma_start3A_11, %mul3A_2] : memref<16x16384xf32, #tpu.memory_space<hbm>> -> memref<16x512xf32, #tpu.memory_space<hbm>>
      tpu.enqueue_dma source(%arg6 : memref<16x512xf32, #tpu.memory_space<vmem>>) target(%dma_start3A_12 : memref<16x512xf32, #tpu.memory_space<hbm>>) target_semaphore(%run_scoped3A : memref<!tpu.dma_semaphore, #tpu.memory_space<semaphore_mem>>)
      %dma_wait3A = arith.constant 0 : i32
      %dma_wait3A_13 = tpu.memref_slice %arg4[%dma_wait3A, %mul3A_2] : memref<16x16384xf32, #tpu.memory_space<hbm>> -> memref<16x512xf32, #tpu.memory_space<hbm>>
      %dma_wait3A_14 = arith.constant 0 : i32
      %dma_wait3A_15 = tpu.memref_slice %arg4[%dma_wait3A_14, %mul3A_2] : memref<16x16384xf32, #tpu.memory_space<hbm>> -> memref<16x512xf32, #tpu.memory_space<hbm>>
      tpu.wait_dma2 semaphore(%run_scoped3A : memref<!tpu.dma_semaphore, #tpu.memory_space<semaphore_mem>>) src(%arg6 : memref<16x512xf32, #tpu.memory_space<vmem>>) dst(%dma_wait3A_15 : memref<16x512xf32, #tpu.memory_space<hbm>>)
      tpu.yield
    }) : () -> ()
    return
  }
}

</mosaic_0001>

<sc_bundles>
// kernel: kernel.3.cloned.1.call-start
scs
__scs_entry_jumppad:
0x0: {  	(pc) =	sbr.rel $0x88, $3  }
0x1: {  	(tag) =	ssettag $0x0;
	lr =	simm.s32 $0x1  }
0x2: {  	[smem:$0x3F9F] =	sst lr;
	_ =	strace $0xD0000000  }
0x3: {  	_ = 	snop  }
0x4: {  	_ = 	snop  }
0x5: {  	_ = 	snop  }
0x6: {  	_ = 	snop  }
0x7: {  	_ = 	snop  }
__scs_overlays_trampoline_lowered:
0x8: {  	[smem:$0x3FAE] =	sst s0  }
0x9: {  	[smem:$0x3FAF] =	sst s1  }
0xa: {  	[smem:$0x3FB0] =	sst s2  }
0xb: {  	[smem:$0x3FB1] =	sst s3  }
0xc: {  	[smem:$0x3FB2] =	sst s4  }
0xd: {  	[smem:$0x3FB3] =	sst s5  }
0xe: {  	[smem:$0x3FB4] =	sst s6  }
0xf: {  	[smem:$0x3FB5] =	sst s7  }
0x10: {  	[smem:$0x3FB6] =	sst s8  }
0x11: {  	[smem:$0x3FB7] =	sst s9;
	s0 =	simm.s32 @!p0 $0x0  }
0x12: {  	s1 =	sld [smem:$0x3F9D];
	s0 =	simm.s32 @p0 $0x1  }
0x13: {  	[smem:$0x3FB8] =	sst s0;
	s0 =	simm.s32 @!p1 $0x0  }
0x14: {  	s2 =	sld [smem:$0x3F9C];
	s0 =	simm.s32 @p1 $0x1  }
0x15: {  	[smem:$0x3FB9] =	sst s0;
	s0 =	simm.s32 @!p2 $0x0  }
0x16: {  	s3 =	sld [smem:$0x3FDB];
	s0 =	simm.s32 @p2 $0x1  }
0x17: {  	s4 =	simm.s32 $0x1BF5;
	[smem:$0x3FBB] =	sst s0  }
0x18: {  	s0 =	sld [smem:$0x3F9E];
	_ =	swait.ge [sflag:s4], $0x0  }
0x19: {  	s7 =	sld [smem:$0x3F9F]  }
0x1a: {  	s8 =	sadd.s32 $0xFFFFE003, lr  }
0x1b: {  	s9 =	sadd.s32 $0xFFFFFEF7, lr;
	s5 =	simm.s32 $0xFFFFFFFF;
	p2 =	slt.u32 s8, $0xFFFFF086  }
0x1c: {  	p1 =	slt.u32 s9, $0xF7A;
	s5 =	simm.s32 @!p2 $0x0  }
0x1d: {  	s5 =	simm.s32 @p1 $0x1;
	p0 =	seq.s32 s7, s2  }
0x1e: {  	s7 =	smul.u32 @!p0 $0xF7A, s2;
	p2 =	seq.s32 @!p0 s5, $0x0  }
0x1f: {  	s9 =	smul.u32 $0xF7A, s1;
	s8 =	simm.s32 @!p0 $0x1BF5;
	p2 =	por !p2, p0  }
0x20: {  	[sflag:s8] =	ssyncset.s32 @!p0 $0xFFFFF086;
	s6 =	sadd.s32 @!p0 s3, s7;
	s7 =	simm.s32 @!p0 $0x108  }
0x21: {  	s3 =	sadd.s32 s3, s9;
	s6 =	sadd.s32 @!p0 $0x88, s6;
	s7 =	simm.s32 @p2 $0x1082  }
0x22: {  	[simem:s7], [sflag:s8] =	dma.local @!p0 [hbm:s6], $0xF7A  }
0x23: {  	s9 =	sor.u32 $0xD0000000, s2;
	s6 =	simm.s32 $0x108;
	_ =	swait.ge @!p0 [sflag:s8], $0x0  }
0x24: {  	s3 =	sadd.s32 $0x88, s3;
	s6 =	simm.s32 @!p1 $0x1082;
	[sflag:s4] =	ssyncset.s32 $0xFFFFF086  }
0x25: {  	[simem:s6], [sflag:s4] =	dma.local [hbm:s3], $0xF7A  }
0x26: {  	[smem:$0x3F9F] =	sst s1;
	(tag) =	ssettag s2;
	_ =	strace s9  }
0x27: {  	s1 =	sld [smem:$0x3FAF]  }
0x28: {  	s2 =	sld [smem:$0x3FB0]  }
0x29: {  	s4 =	sld [smem:$0x3FB2]  }
0x2a: {  	p0 =	seq.s32 s5, $0x0;
	s5 =	sld [smem:$0x3FB3]  }
0x2b: {  	s6 =	sld [smem:$0x3FB4]  }
0x2c: {  	s7 =	sld [smem:$0x3FB5]  }
0x2d: {  	s3 =	simm.s32 $0x108;
	s8 =	sld [smem:$0x3FB6]  }
0x2e: {  	s3 =	simm.s32 @!p0 $0x1082;
	s9 =	sld [smem:$0x3FB7]  }
0x2f: {  	lr =	sadd.s32 s0, s3;
	s0 =	sld [smem:$0x3FAE]  }
0x30: {  	s3 =	sld [smem:$0x3FB1]  }
0x31: {  	[smem:$0x3FBA] =	sst s10  }
0x32: {  	s10 =	sld [smem:$0x3FB8];
	_ =	sdelay $0x3  }
0x33: {  	p0 =	seq.s32 s10, $0x1;
	s10 =	sld [smem:$0x3FBA];
	_ =	sdelay $0x3  }
0x34: {  	[smem:$0x3FBA] =	sst s10  }
0x35: {  	s10 =	sld [smem:$0x3FB9];
	_ =	sdelay $0x3  }
0x36: {  	p1 =	seq.s32 s10, $0x1;
	s10 =	sld [smem:$0x3FBA];
	_ =	sdelay $0x3  }
0x37: {  	[smem:$0x3FBA] =	sst s10  }
0x38: {  	s10 =	sld [smem:$0x3FBB]  }
0x39: {  	_ = 	snop;
	(pc) =	sbr.ind lr, $3  }
0x3a: {  	_ = 	snop  }
0x3b: {  	_ = 	snop  }
0x3c: {  	p2 =	seq.s32 s10, $0x1;
	s10 =	sld [smem:$0x3FBA]  }
0x3d: {  	_ =	shalt  }
0x3e: {  	_ =	shalt  }
0x3f: {  	_ =	shalt  }
0x40: {  	_ =	shalt  }
0x41: {  	_ =	shalt  }
0x42: {  	_ =	shalt  }
0x43: {  	_ =	shalt  }
0x44: {  	_ =	shalt  }
0x45: {  	_ =	shalt  }
0x46: {  	_ =	shalt  }
0x47: {  	_ =	shalt  }
0x48: {  	_ =	shalt  }
0x49: {  	_ =	shalt  }
0x4a: {  	_ =	shalt  }
0x4b: {  	_ =	shalt  }
0x4c: {  	_ =	shalt  }
0x4d: {  	_ =	shalt  }
0x4e: {  	_ =	shalt  }
0x4f: {  	_ =	shalt  }
0x50: {  	_ =	shalt  }
0x51: {  	_ =	shalt  }
0x52: {  	_ =	shalt  }
0x53: {  	_ =	shalt  }
0x54: {  	_ =	shalt  }
0x55: {  	_ =	shalt  }
0x56: {  	_ =	shalt  }
0x57: {  	_ =	shalt  }
0x58: {  	_ =	shalt  }
0x59: {  	_ =	shalt  }
0x5a: {  	_ =	shalt  }
0x5b: {  	_ =	shalt  }
0x5c: {  	_ =	shalt  }
0x5d: {  	_ =	shalt  }
0x5e: {  	_ =	shalt  }
0x5f: {  	_ =	shalt  }
0x60: {  	_ =	shalt  }
0x61: {  	_ =	shalt  }
0x62: {  	_ =	shalt  }
0x63: {  	_ =	shalt  }
0x64: {  	_ =	shalt  }
0x65: {  	_ =	shalt  }
0x66: {  	_ =	shalt  }
0x67: {  	_ =	shalt  }
0x68: {  	_ =	shalt  }
0x69: {  	_ =	shalt  }
0x6a: {  	_ =	shalt  }
0x6b: {  	_ =	shalt  }
0x6c: {  	_ =	shalt  }
0x6d: {  	_ =	shalt  }
0x6e: {  	_ =	shalt  }
0x6f: {  	_ =	shalt  }
0x70: {  	_ =	shalt  }
0x71: {  	_ =	shalt  }
0x72: {  	_ =	shalt  }
0x73: {  	_ =	shalt  }
0x74: {  	_ =	shalt  }
0x75: {  	_ =	shalt  }
0x76: {  	_ =	shalt  }
0x77: {  	_ =	shalt  }
0x78: {  	_ =	shalt  }
0x79: {  	_ =	shalt  }
0x7a: {  	_ =	shalt  }
0x7b: {  	_ =	shalt  }
0x7c: {  	_ =	shalt  }
0x7d: {  	_ =	shalt  }
0x7e: {  	_ =	shalt  }
0x7f: {  	_ =	shalt  }
0x80: {  	_ =	shalt  }
0x81: {  	_ =	shalt  }
0x82: {  	_ =	shalt  }
0x83: {  	_ =	shalt  }
0x84: {  	_ =	shalt  }
0x85: {  	_ =	shalt  }
0x86: {  	_ =	shalt  }
0x87: {  	_ =	shalt  }
.Lfunc_end0:
.L_simem_size_0:
called_computation_lowered:
.L_overlay_start_0:
0x88: {  	s2 =	sld [smem:$0x3FD9]  }
0x89: {  	s3 =	sld [smem:$0x3FFE];
	_ =	sdelay $0x1  }
0x8a: {  	s1 =	srdreg.scid  }
0x8b: {  	s0 =	sand.u32 $0x1, s1  }
0x8c: {  	s18 =	sshll.u32 s0, $0xA;
	s2 =	sadd.s32 s3, s2  }
0x8d: {  	s2 =	sadd.s32 s2, s18  }
0x8e: {  	[smem:$0x3FC6] =	sst s2  }
0x8f: {  	_ = 	snop  }
0x90: {  	s2 =	sld [smem:$0x3FC9]  }
0x91: {  	s19 =	sld [smem:$0x3FC8]  }
0x92: {  	s4 =	sld [smem:$0x3FD0];
	(tm) =	ssettm $0x1  }
0x93: {  	s5 =	sld [smem:$0x3FFB];
	_ =	sdelay $0x3  }
0x94: {  	_ =	strace s5  }
0x95: {  	s5 =	sld [smem:$0x3FFC];
	_ =	sdelay $0x3  }
0x96: {  	_ =	strace s5  }
0x97: {  	s5 =	sld [smem:$0x3FFD];
	_ =	sdelay $0x3  }
0x98: {  	_ =	strace s5  }
0x99: {  	_ =	strace $0x8FFFFFFF  }
0x9a: {  	s20 =	sld [smem:$0x3FDB];
	_ =	sdelay $0x1  }
0x9b: {  	s6 =	simm.s32 $_scs_section_size  }
0x9c: {  	s7 =	simm.s32 $_size__tile_overlayer_lowered;
	s8 =	simm.s32 $_tile_overlayer_lowered  }
0x9d: {  	s23 =	simm.s32 $0x1BFF;
	s22 =	sshll.u32 s8, $0x1;
	s5 =	sadd.s32 s6, s20  }
0x9e: {  	s9 =	simm.s32 $0x0;
	s21 =	sshll.u32 s7, $0x1;
	s7 =	sadd.s32 s22, s5  }
0x9f: {  	[timem:s9], [sflag:s23] =	dma.local [hbm:s7], s21  }
0xa0: {  	_ =	swait.ge [sflag:s23], s21  }
0xa1: {  	s6 =	ssub.s32 $0x0, s21;
	[sflag:s23] =	ssyncset.done $0x0  }
0xa2: {  	[sflag:s23] =	ssyncadd.s32 s6;
	_ =	sdelay $0x1  }
0xa3: {  	s24 =	simm.s32 $0x1B8B  }
0xa4: {  	_ =	swait.ge [sflag:s24], $0x1  }
0xa5: {  	[sflag:s24] =	ssyncset.done $0x0  }
0xa6: {  	s25 =	simm.s32 $0x1B8E;
	[sflag:s24] =	ssyncadd.s32 $0xFFFFFFFF  }
0xa7: {  	s26 =	simm.s32 $execute0_lowered;
	[smem:$0x3FD2] =	sst s25  }
0xa8: {  	s6 =	sshll.u32 s26, $0x1;
	_ =	strace $0x80000046;
	[dreg:$0x1] =	wrdreg $0xFFFFFFFF  }
0xa9: {  	s28 =	simm.s32 $_size_execute0_lowered;
	s5 =	sadd.s32 s5, s6;
	[dreg:$0x0] =	wrdreg $0x0  }
0xaa: {  	s6 =	sshll.u32 s28, $0x1;
	[dreg:$0x2] =	wrdreg s5  }
0xab: {  	[dreg:$0x3] =	wrdreg s6  }
0xac: {  	[dreg:$0x4] =	wrdreg $0xC0  }
0xad: {  	_ =	task [dreg:s9], $0x5FFFF  }
0xae: {  	[dreg:$0x1] =	wrdreg $0xFFFFFFFF  }
0xaf: {  	[dreg:$0x0] =	wrdreg $0x60  }
0xb0: {  	[dreg:$0x2] =	wrdreg s2  }
0xb1: {  	[dreg:$0x3] =	wrdreg s19  }
0xb2: {  	[dreg:$0x4] =	wrdreg s4  }
0xb3: {  	[dreg:$0x5] =	wrdreg $0x9  }
0xb4: {  	_ =	task.clear_ibuf [dreg:s9], $0x6FFFF;
	_ =	strace $0x90000046  }
0xb5: {  	s29 =	simm.s32 $0x9;
	_ =	strace $0x80000048  }
0xb6: {  	_ =	swait.ge [sflag:s29], $0x1  }
0xb7: {  	[sflag:s29] =	ssyncadd.s32 $0xFFFFFFFF  }
0xb8: {  	_ =	strace $0x90000048  }
0xb9: {  	_ =	sfence  }
0xba: {  	s30 =	sld [smem:$0x0];
	_ =	sdelay $0x2  }
0xbb: {  	s31 =	sshll.u32 s1, $0xD;
	s1 =	sshrl.u32 s1, $0x2  }
0xbc: {  	s3 =	sand.u32 $0x4000, s31;
	s1 =	sadd.s32 s1, s30  }
0xbd: {  	s0 =	sor.u32 s3, s0;
	s1 =	sshll.u32 s1, $0x11  }
0xbe: {  	s0 =	sor.u32 s1, s0  }
0xbf: {  	s0 =	sadd.s32 $0x8F2B, s0  }
0xc0: {  	[sflag:s0] =	ssyncadd.remote.s32 $0x1  }
0xc1: {  	_ =	sfence.sel $0xFFFF  }
0xc2: {  	[dreg:$0x0] =	wrdreg $0xFFFFFFFF;
	(pc) =	sbr.abs _section_cstart, $3  }
0xc3: {  	[dreg:$0x1] =	wrdreg $0xFFFFFFFF  }
0xc4: {  	_ =	task.clear_ibuf [dreg:s9], $0x2FFFF;
	_ =	strace $0x9FFFFFFF  }
0xc5: {  	(tm) =	ssettm $0x7FFFFFFF  }
tec
execute0_lowered:
.L_overlay_start_1:
0x0: {  	(tag) =	ssettag $0x1  }
0x1: {  	v0 =	vimm.s32 $0x1380;
	vm0 =	vcmask $0x300  }
0x2: {  	s1 =	rddreg [dreg:$0x0];
	vm14 =	vcmask $0x704;
	v0 =	vsel vm0, $0x0, v0  }
0x3: {  	s0 =	rddreg [dreg:$0x1];
	vm15 =	vcmask $0xB08;
	v0 =	vsel vm14, $0x80, v0  }
0x4: {  	s2 =	rddreg [dreg:$0x2];
	vm4 =	vcmask $0xF0C;
	v0 =	vsel vm15, $0x100, v0  }
0x5: {  	s3 =	srdreg.scid;
	s4 =	stileid.u32;
	vm5 =	vcmask $0x1310;
	v0 =	vsel vm4, $0x180, v0  }
0x6: {  	s6 =	simm.s32 $0x0;
	s8 =	simm.s32 $0x400;
	s9 =	simm.s32 $0x7A1400;
	vm6 =	vcmask $0x1714;
	v0 =	vsel vm5, $0x200, v0  }
0x7: {  	s26 =	simm.s32 $0x2200;
	s10 =	simm.s32 $0x4A00;
	s11 =	simm.s32 $0x5200;
	vm7 =	vcmask $0x1B18;
	v0 =	vsel vm6, $0x280, v0  }
0x8: {  	s12 =	simm.s32 $0x5A00;
	s13 =	simm.s32 $0x6200;
	vm8 =	vcmask $0x1F1C;
	s14 =	simm.s32 $0x1;
	v0 =	vsel vm7, $0x300, v0  }
0x9: {  	vm9 =	vcmask $0x2320;
	s15 =	simm.s32 $0x200;
	s3 =	sand.u32 $0x1, s3;
	s4 =	sshll.u32 s4, $0xA;
	v0 =	vsel vm8, $0x380, v0  }
0xa: {  	vm10 =	vcmask $0x2724;
	[smem:$0x7FF] =	sst s6;
	s5 =	sshll.u32 s3, $0x9;
	s3 =	ssub.s32 $0x2, s3;
	v0 =	vsel vm9, $0x1000, v0  }
0xb: {  	vm11 =	vcmask $0x2B28;
	_ =	strace $0x80000047;
	s29 =	sor.u32 s5, s4;
	s7 =	sshrl.u32 s3, $0x1;
	v0 =	vsel vm10, $0x1080, v0  }
0xc: {  	vm12 =	vcmask $0x2F2C;
	s30 =	sadd.s32 s2, s5;
	s5 =	simm.s32 $0x3200;
	s6 =	sshrl.u32 s29, $0x3;
	v0 =	vsel vm11, $0x1100, v0  }
0xd: {  	vm13 =	vcmask $0x3330;
	s2 =	simm.s32 $0x0;
	s3 =	ssub.s32 s3, s7;
	s0 =	sadd.s32 s0, s6;
	v0 =	vsel vm12, $0x1180, v0  }
0xe: {  	vm14 =	vcmask $0x3734;
	s7 =	simm.s32 $0x4200;
	s31 =	smax.u32 s3, $0x1;
	[dreg:$0x4] =	wrdreg s0;
	v0 =	vsel vm13, $0x1200, v0  }
0xf: {  	v1 =	vlaneseq.u32;
	vm15 =	vcmask $0x3B38;
	s3 =	simm.s32 $0x2;
	s0 =	sadd.s32 s4, s30;
	[dreg:$0x6] =	wrdreg s31;
	v2 =	vsel vm14, $0x1280, v0  }
0x10: {  	s6 =	simm.s32 $0x3A00;
	s4 =	simm.s32 $0x2A00;
	[dreg:$0x5] =	wrdreg s0;
	v0 =	vmul.u32 $0x80, v1;
	v1 =	vsel vm15, $0x1300, v2  }
.LBB2_1:
0x11: {  	[dreg:$0x7] =	wrdreg s2  }
0x12: {  	s0 =	simm.s32 $0x0;
	s31 =	rddreg [dreg:$0x4]  }
0x13: {  	[tilespmem:s0], [sflag:$0x2] =	stream.linear.gather [hbm4b:s31+s0], $0x200, $0x38;
	[tilespmem:$0x12200] =	vst v63  }
0x14: {  	_ =	swait.ge [sflag:s3], $0x200  }
0x15: {  	[sflag:s3] =	ssyncset.done $0x0  }
0x16: {  	s29 =	simm.s32 $0x0;
	s17 =	simm.s32 $0x0;
	[sflag:s3] =	ssyncadd.s32 $0xFFFFFE00  }
.LBB2_2:
0x17: {  	s0 =	sshrl.u32 s29, $0x2  }
0x18: {  	s2 =	sand.u32 $0x60, s17;
	s0 =	sand.u32 $0x180, s0  }
0x19: {  	s2 =	sor.u32 s2, s0  }
0x1a: {  	v3 =	vld [tilespmem:s2+$0x0];
	_ =	sdelay $0x4  }
0x1b: {  	(v2sf) =	vpush v3, $0x0;
	_ =	sdelay $0x3  }
0x1c: {  	(v2sf) =	vpush v3, $0x1;
	_ =	sdelay $0x1  }
0x1d: {  	(v2sf) =	vpush v3, $0x2;
	_ =	sdelay $0x3  }
0x1e: {  	(v2sf) =	vpush v3, $0x3;
	_ =	sdelay $0x4  }
0x1f: {  	s25 =	spop (v2sf);
	(v2sf) =	vpush v3, $0x4;
	_ =	sdelay $0x2  }
0x20: {  	s18 =	sadd.s32 $0x10, s17  }
0x21: {  	s2 =	sand.u32 $0x70, s18;
	s24 =	spop (v2sf);
	(v2sf) =	vpush v3, $0x5  }
0x22: {  	s0 =	sor.u32 s2, s0;
	s19 =	sand.u32 $0xFFFFF80, s25  }
0x23: {  	s20 =	sadd.s32 s1, s19;
	s21 =	sand.u32 $0xFFFFF80, s24;
	s23 =	spop (v2sf);
	(v2sf) =	vpush v3, $0x6  }
0x24: {  	v2 =	vld [tilespmem:s0+$0x0];
	[tilespmem:s26], [sflag:$0x1] =	stream.strided.gather [hbm4b:s20+s8], $0x800, s9, s8, $0x38  }
0x25: {  	s0 =	sadd.s32 s1, s21;
	s22 =	sand.u32 $0xFFFFF80, s23  }
0x26: {  	[tilespmem:s4], [sflag:$0x1] =	stream.strided.gather [hbm4b:s0+s8], $0x800, s9, s8, $0x38;
	[tilespmem:$0x12200] =	vst v63  }
0x27: {  	s0 =	sadd.s32 s1, s22;
	s22 =	spop (v2sf);
	(v2sf) =	vpush v3, $0x7;
	_ =	sdelay $0x4  }
0x28: {  	s26 =	sand.u32 $0xFFFFF80, s22;
	s21 =	spop (v2sf);
	(v2sf) =	vpush v3, $0x8  }
0x29: {  	[tilespmem:s5], [sflag:$0x1] =	stream.strided.gather [hbm4b:s0+s8], $0x800, s9, s8, $0x38;
	[tilespmem:$0x12200] =	vst v63  }
0x2a: {  	s0 =	sadd.s32 s1, s26  }
0x2b: {  	[tilespmem:s6], [sflag:$0x1] =	stream.strided.gather [hbm4b:s0+s8], $0x800, s9, s8, $0x38;
	[tilespmem:$0x12200] =	vst v63  }
0x2c: {  	s20 =	spop (v2sf);
	(v2sf) =	vpush v3, $0x9  }
0x2d: {  	s28 =	sand.u32 $0xFFFFF80, s21  }
0x2e: {  	s0 =	sadd.s32 s1, s28;
	s30 =	sand.u32 $0xFFFFF80, s20;
	s19 =	spop (v2sf);
	(v2sf) =	vpush v3, $0xA  }
0x2f: {  	[tilespmem:s7], [sflag:$0x1] =	stream.strided.gather [hbm4b:s0+s8], $0x800, s9, s8, $0x38;
	[tilespmem:$0x12200] =	vst v63  }
0x30: {  	s0 =	sadd.s32 s1, s30  }
0x31: {  	[tilespmem:s10], [sflag:$0x1] =	stream.strided.gather [hbm4b:s0+s8], $0x800, s9, s8, $0x38;
	[tilespmem:$0x12200] =	vst v63  }
0x32: {  	s31 =	sand.u32 $0xFFFFF80, s19;
	s16 =	spop (v2sf);
	(v2sf) =	vpush v3, $0xB  }
0x33: {  	s0 =	sadd.s32 s1, s31;
	s2 =	sand.u32 $0xFFFFF80, s16  }
0x34: {  	[tilespmem:s11], [sflag:$0x1] =	stream.strided.gather [hbm4b:s0+s8], $0x800, s9, s8, $0x38;
	[tilespmem:$0x12200] =	vst v63  }
0x35: {  	s0 =	sadd.s32 s1, s2  }
0x36: {  	[tilespmem:s12], [sflag:$0x1] =	stream.strided.gather [hbm4b:s0+s8], $0x800, s9, s8, $0x38;
	[tilespmem:$0x12200] =	vst v63  }
0x37: {  	s0 =	spop (v2sf);
	(v2sf) =	vpush v3, $0xC  }
0x38: {  	s12 =	sand.u32 $0xFFFFF80, s0  }
0x39: {  	s2 =	sadd.s32 s1, s12  }
0x3a: {  	[tilespmem:s13], [sflag:$0x1] =	stream.strided.gather [hbm4b:s2+s8], $0x800, s9, s8, $0x38;
	[tilespmem:$0x12200] =	vst v63  }
0x3b: {  	s13 =	spop (v2sf);
	(v2sf) =	vpush v3, $0xD  }
0x3c: {  	s12 =	sand.u32 $0xFFFFF80, s13  }
0x3d: {  	s2 =	sadd.s32 s1, s12;
	s12 =	spop (v2sf);
	(v2sf) =	vpush v3, $0xE  }
0x3e: {  	s3 =	simm.s32 $0x6A00  }
0x3f: {  	[tilespmem:s3], [sflag:$0x1] =	stream.strided.gather [hbm4b:s2+s8], $0x800, s9, s8, $0x38;
	[tilespmem:$0x12200] =	vst v63  }
0x40: {  	s3 =	sand.u32 $0xFFFFF80, s12  }
0x41: {  	s4 =	simm.s32 $0x7200;
	s2 =	sadd.s32 s1, s3;
	s3 =	spop (v2sf)  }
0x42: {  	(v2sf) =	vpush v3, $0xF;
	[tilespmem:s4], [sflag:$0x1] =	stream.strided.gather [hbm4b:s2+s8], $0x800, s9, s8, $0x38;
	[tilespmem:$0x12200] =	vst v63  }
0x43: {  	s4 =	sand.u32 $0xFFFFF80, s3  }
0x44: {  	s5 =	simm.s32 $0x7A00;
	s2 =	sadd.s32 s1, s4  }
0x45: {  	[tilespmem:s5], [sflag:$0x1] =	stream.strided.gather [hbm4b:s2+s8], $0x800, s9, s8, $0x38;
	[tilespmem:$0x12200] =	vst v63  }
0x46: {  	s4 =	spop (v2sf);
	(v2sf) =	vpush v2, $0x0  }
0x47: {  	s5 =	sand.u32 $0xFFFFF80, s4  }
0x48: {  	s6 =	simm.s32 $0x8200;
	s2 =	sadd.s32 s1, s5  }
0x49: {  	[tilespmem:s6], [sflag:$0x1] =	stream.strided.gather [hbm4b:s2+s8], $0x800, s9, s8, $0x38;
	[tilespmem:$0x12200] =	vst v63  }
0x4a: {  	s5 =	spop (v2sf);
	(v2sf) =	vpush v2, $0x1  }
0x4b: {  	[dreg:$0xe] =	wrdreg s18;
	s6 =	sand.u32 $0xFFFFF80, s5  }
0x4c: {  	s18 =	simm.s32 $0x8A00;
	s2 =	sadd.s32 s1, s6;
	s6 =	spop (v2sf)  }
0x4d: {  	[tilespmem:s18], [sflag:$0x1] =	stream.strided.gather [hbm4b:s2+s8], $0x800, s9, s8, $0x38;
	[tilespmem:$0x12200] =	vst v63  }
0x4e: {  	(v2sf) =	vpush v2, $0x2;
	s18 =	sand.u32 $0xFFFFF80, s6  }
0x4f: {  	s26 =	simm.s32 $0x9200;
	s2 =	sadd.s32 s1, s18  }
0x50: {  	[tilespmem:s26], [sflag:$0x1] =	stream.strided.gather [hbm4b:s2+s8], $0x800, s9, s8, $0x38;
	[tilespmem:$0x12200] =	vst v63  }
0x51: {  	s26 =	spop (v2sf)  }
0x52: {  	(v2sf) =	vpush v2, $0x3;
	s2 =	sand.u32 $0xFFFFF80, s26  }
0x53: {  	s28 =	simm.s32 $0x9A00;
	s2 =	sadd.s32 s1, s2  }
0x54: {  	[tilespmem:s28], [sflag:$0x1] =	stream.strided.gather [hbm4b:s2+s8], $0x800, s9, s8, $0x38;
	[tilespmem:$0x12200] =	vst v63  }
0x55: {  	s18 =	spop (v2sf)  }
0x56: {  	(v2sf) =	vpush v2, $0x4;
	s2 =	sand.u32 $0xFFFFF80, s18  }
0x57: {  	s30 =	simm.s32 $0xA200;
	s2 =	sadd.s32 s1, s2  }
0x58: {  	[tilespmem:s30], [sflag:$0x1] =	stream.strided.gather [hbm4b:s2+s8], $0x800, s9, s8, $0x38;
	[tilespmem:$0x12200] =	vst v63  }
0x59: {  	s30 =	spop (v2sf)  }
0x5a: {  	[dreg:$0x14] =	wrdreg s26;
	(v2sf) =	vpush v2, $0x5;
	s26 =	sand.u32 $0xFFFFF80, s30  }
0x5b: {  	s31 =	simm.s32 $0xAA00;
	s2 =	sadd.s32 s1, s26  }
0x5c: {  	[tilespmem:s31], [sflag:$0x1] =	stream.strided.gather [hbm4b:s2+s8], $0x800, s9, s8, $0x38;
	[tilespmem:$0x12200] =	vst v63  }
0x5d: {  	s2 =	spop (v2sf)  }
0x5e: {  	(v2sf) =	vpush v2, $0x6;
	s28 =	sand.u32 $0xFFFFF80, s2  }
0x5f: {  	s7 =	simm.s32 $0xB200;
	[dreg:$0x13] =	wrdreg s18;
	s18 =	sadd.s32 s1, s28  }
0x60: {  	[tilespmem:s7], [sflag:$0x1] =	stream.strided.gather [hbm4b:s18+s8], $0x800, s9, s8, $0x38;
	[tilespmem:$0x12200] =	vst v63  }
0x61: {  	s18 =	spop (v2sf)  }
0x62: {  	(v2sf) =	vpush v2, $0x7;
	s31 =	sand.u32 $0xFFFFF80, s18  }
0x63: {  	s10 =	simm.s32 $0xBA00;
	s28 =	sadd.s32 s1, s31  }
0x64: {  	[tilespmem:s10], [sflag:$0x1] =	stream.strided.gather [hbm4b:s28+s8], $0x800, s9, s8, $0x38;
	[tilespmem:$0x12200] =	vst v63  }
0x65: {  	s31 =	spop (v2sf)  }
0x66: {  	(v2sf) =	vpush v2, $0x8;
	s7 =	sand.u32 $0xFFFFF80, s31  }
0x67: {  	s11 =	simm.s32 $0xC200;
	s28 =	sadd.s32 s1, s7  }
0x68: {  	[tilespmem:s11], [sflag:$0x1] =	stream.strided.gather [hbm4b:s28+s8], $0x800, s9, s8, $0x38;
	[tilespmem:$0x12200] =	vst v63  }
0x69: {  	s10 =	spop (v2sf)  }
0x6a: {  	(v2sf) =	vpush v2, $0x9;
	s11 =	sand.u32 $0xFFFFF80, s10  }
0x6b: {  	s26 =	simm.s32 $0xCA00;
	s28 =	sadd.s32 s1, s11  }
0x6c: {  	[tilespmem:s26], [sflag:$0x1] =	stream.strided.gather [hbm4b:s28+s8], $0x800, s9, s8, $0x38;
	[tilespmem:$0x12200] =	vst v63  }
0x6d: {  	[dreg:$0x12] =	wrdreg s10;
	s10 =	spop (v2sf)  }
0x6e: {  	(v2sf) =	vpush v2, $0xA;
	s11 =	sand.u32 $0xFFFFF80, s10  }
0x6f: {  	s26 =	simm.s32 $0xD200;
	s28 =	sadd.s32 s1, s11  }
0x70: {  	[tilespmem:s26], [sflag:$0x1] =	stream.strided.gather [hbm4b:s28+s8], $0x800, s9, s8, $0x38;
	[tilespmem:$0x12200] =	vst v63  }
0x71: {  	s28 =	spop (v2sf)  }
0x72: {  	[dreg:$0x11] =	wrdreg s10;
	(v2sf) =	vpush v2, $0xB;
	s10 =	sand.u32 $0xFFFFF80, s28  }
0x73: {  	s11 =	simm.s32 $0xDA00;
	s26 =	sadd.s32 s1, s10  }
0x74: {  	[tilespmem:s11], [sflag:$0x1] =	stream.strided.gather [hbm4b:s26+s8], $0x800, s9, s8, $0x38;
	[tilespmem:$0x12200] =	vst v63  }
0x75: {  	s26 =	spop (v2sf)  }
0x76: {  	(v2sf) =	vpush v2, $0xC;
	s10 =	sand.u32 $0xFFFFF80, s26  }
0x77: {  	s11 =	simm.s32 $0xE200;
	[dreg:$0x10] =	wrdreg s26;
	s26 =	sadd.s32 s1, s10  }
0x78: {  	[tilespmem:s11], [sflag:$0x1] =	stream.strided.gather [hbm4b:s26+s8], $0x800, s9, s8, $0x38;
	[tilespmem:$0x12200] =	vst v63  }
0x79: {  	s26 =	spop (v2sf)  }
0x7a: {  	(v2sf) =	vpush v2, $0xD;
	s10 =	sand.u32 $0xFFFFF80, s26  }
0x7b: {  	s11 =	simm.s32 $0xEA00;
	[dreg:$0xf] =	wrdreg s26;
	s26 =	sadd.s32 s1, s10  }
0x7c: {  	[tilespmem:s11], [sflag:$0x1] =	stream.strided.gather [hbm4b:s26+s8], $0x800, s9, s8, $0x38;
	[tilespmem:$0x12200] =	vst v63  }
0x7d: {  	s26 =	spop (v2sf)  }
0x7e: {  	(v2sf) =	vpush v2, $0xE;
	s10 =	sand.u32 $0xFFFFF80, s26  }
0x7f: {  	s11 =	simm.s32 $0xF200;
	[dreg:$0xd] =	wrdreg s26;
	s26 =	sadd.s32 s1, s10  }
0x80: {  	[tilespmem:s11], [sflag:$0x1] =	stream.strided.gather [hbm4b:s26+s8], $0x800, s9, s8, $0x38;
	[tilespmem:$0x12200] =	vst v63  }
0x81: {  	s26 =	spop (v2sf)  }
0x82: {  	(v2sf) =	vpush v2, $0xF;
	s10 =	sand.u32 $0xFFFFF80, s26  }
0x83: {  	s11 =	simm.s32 $0xFA00;
	[dreg:$0xc] =	wrdreg s26;
	s26 =	sadd.s32 s1, s10  }
0x84: {  	[tilespmem:s11], [sflag:$0x1] =	stream.strided.gather [hbm4b:s26+s8], $0x800, s9, s8, $0x38;
	[tilespmem:$0x12200] =	vst v63  }
0x85: {  	s26 =	spop (v2sf)  }
0x86: {  	s10 =	sand.u32 $0xFFFFF80, s26  }
0x87: {  	s11 =	simm.s32 $0x10200;
	[dreg:$0xb] =	wrdreg s26;
	s26 =	sadd.s32 s1, s10  }
0x88: {  	[tilespmem:s11], [sflag:$0x1] =	stream.strided.gather [hbm4b:s26+s8], $0x800, s9, s8, $0x38;
	[tilespmem:$0x12200] =	vst v63  }
0x89: {  	s26 =	spop (v2sf)  }
0x8a: {  	s10 =	sand.u32 $0xFFFFF80, s26  }
0x8b: {  	s11 =	simm.s32 $0x10A00;
	[dreg:$0xa] =	wrdreg s26;
	s26 =	sadd.s32 s1, s10  }
0x8c: {  	[tilespmem:s11], [sflag:$0x1] =	stream.strided.gather [hbm4b:s26+s8], $0x800, s9, s8, $0x38;
	[tilespmem:$0x12200] =	vst v63  }
0x8d: {  	s26 =	spop (v2sf)  }
0x8e: {  	s10 =	sand.u32 $0xFFFFF80, s26  }
0x8f: {  	s11 =	simm.s32 $0x11200;
	[dreg:$0x9] =	wrdreg s26;
	s26 =	sadd.s32 s1, s10  }
0x90: {  	[tilespmem:s11], [sflag:$0x1] =	stream.strided.gather [hbm4b:s26+s8], $0x800, s9, s8, $0x38;
	[tilespmem:$0x12200] =	vst v63  }
0x91: {  	s26 =	spop (v2sf)  }
0x92: {  	s25 =	sand.u32 $0x7F, s25;
	s7 =	sand.u32 $0xFFFFF80, s26  }
0x93: {  	v2 =	vor.u32 s25, v0;
	s11 =	simm.s32 $0x11A00;
	[dreg:$0x8] =	wrdreg s26;
	s10 =	sadd.s32 s1, s7  }
0x94: {  	v3 =	vmov s17;
	[tilespmem:s11], [sflag:$0x1] =	stream.strided.gather [hbm4b:s10+s8], $0x800, s9, s8, $0x38;
	[tilespmem:$0x12200] =	vst v63  }
0x95: {  	v4 =	vshll.u32 v3, $0x3;
	_ =	swait.ge [sflag:s14], $0x800  }
0x96: {  	v3 =	vand.u32 $0x60, v3;
	v4 =	vand.u32 $0xC00, v4;
	[sflag:s14] =	ssyncset.done $0x0  }
0x97: {  	v3 =	vor.u32 v4, v3;
	s26 =	simm.s32 $0x2200;
	[sflag:s14] =	ssyncadd.s32 $0xFFFFF800  }
0x98: {  	v3 =	vor.u32 v1, v3;
	v2 =	vld.idx.msk [tilespmem:v2+s26+$0x0], $0xffff;
	_ =	sdelay $0x2  }
0x99: {  	s24 =	sand.u32 $0x7F, s24  }
0x9a: {  	v59 =	vor.u32 s24, v0;
	s7 =	sadd.s32 $0x1, s17  }
0x9b: {  	v5 =	vmov s7;
	[tilespmem:v3+s15+$0x0] =	vst.idx.msk $0xffff, v2  }
0x9c: {  	v2 =	vshll.u32 v5, $0x3;
	_ =	swait.ge [sflag:s14], $0x800  }
0x9d: {  	v3 =	vand.u32 $0x61, v5;
	v2 =	vand.u32 $0xC00, v2;
	[sflag:s14] =	ssyncset.done $0x0  }
0x9e: {  	s10 =	simm.s32 $0x2A00;
	v2 =	vor.u32 v2, v3;
	[sflag:s14] =	ssyncadd.s32 $0xFFFFF800  }
0x9f: {  	v2 =	vor.u32 v1, v2;
	v3 =	vld.idx.msk [tilespmem:v59+s10+$0x0], $0xffff;
	_ =	sdelay $0x2  }
0xa0: {  	s23 =	sand.u32 $0x7F, s23  }
0xa1: {  	v60 =	vor.u32 s23, v0;
	s11 =	sadd.s32 $0x2, s17  }
0xa2: {  	v61 =	vmov s11;
	[tilespmem:v2+s15+$0x0] =	vst.idx.msk $0xffff, v3  }
0xa3: {  	v2 =	vshll.u32 v61, $0x3;
	_ =	swait.ge [sflag:s14], $0x800  }
0xa4: {  	v3 =	vand.u32 $0x62, v61;
	v2 =	vand.u32 $0xC00, v2;
	[sflag:s14] =	ssyncset.done $0x0  }
0xa5: {  	s24 =	simm.s32 $0x3200;
	v2 =	vor.u32 v2, v3;
	[sflag:s14] =	ssyncadd.s32 $0xFFFFF800  }
0xa6: {  	v2 =	vor.u32 v1, v2;
	v3 =	vld.idx.msk [tilespmem:v60+s24+$0x0], $0xffff;
	_ =	sdelay $0x2  }
0xa7: {  	s22 =	sand.u32 $0x7F, s22  }
0xa8: {  	v62 =	vor.u32 s22, v0;
	s7 =	sadd.s32 $0x3, s17  }
0xa9: {  	v63 =	vmov s7;
	[tilespmem:v2+s15+$0x0] =	vst.idx.msk $0xffff, v3  }
0xaa: {  	v2 =	vshll.u32 v63, $0x3;
	_ =	swait.ge [sflag:s14], $0x800  }
0xab: {  	v3 =	vand.u32 $0x63, v63;
	v2 =	vand.u32 $0xC00, v2;
	[sflag:s14] =	ssyncset.done $0x0  }
0xac: {  	s10 =	simm.s32 $0x3A00;
	v2 =	vor.u32 v2, v3;
	[sflag:s14] =	ssyncadd.s32 $0xFFFFF800  }
0xad: {  	v2 =	vor.u32 v1, v2;
	v3 =	vld.idx.msk [tilespmem:v62+s10+$0x0], $0xffff;
	_ =	sdelay $0x2  }
0xae: {  	s21 =	sand.u32 $0x7F, s21  }
0xaf: {  	v8 =	vor.u32 s21, v0;
	s11 =	sadd.s32 $0x4, s17  }
0xb0: {  	v9 =	vmov s11;
	[tilespmem:v2+s15+$0x0] =	vst.idx.msk $0xffff, v3  }
0xb1: {  	v2 =	vshll.u32 v9, $0x3;
	_ =	swait.ge [sflag:s14], $0x800  }
0xb2: {  	v3 =	vand.u32 $0x64, v9;
	v2 =	vand.u32 $0xC00, v2;
	[sflag:s14] =	ssyncset.done $0x0  }
0xb3: {  	s22 =	simm.s32 $0x4200;
	v2 =	vor.u32 v2, v3;
	[sflag:s14] =	ssyncadd.s32 $0xFFFFF800  }
0xb4: {  	v2 =	vor.u32 v1, v2;
	v3 =	vld.idx.msk [tilespmem:v8+s22+$0x0], $0xffff;
	_ =	sdelay $0x2  }
0xb5: {  	s20 =	sand.u32 $0x7F, s20  }
0xb6: {  	s23 =	sadd.s32 $0x5, s17;
	v10 =	vor.u32 s20, v0  }
0xb7: {  	v11 =	vmov s23;
	[tilespmem:v2+s15+$0x0] =	vst.idx.msk $0xffff, v3  }
0xb8: {  	v2 =	vshll.u32 v11, $0x3;
	_ =	swait.ge [sflag:s14], $0x800  }
0xb9: {  	v3 =	vand.u32 $0x65, v11;
	v2 =	vand.u32 $0xC00, v2;
	[sflag:s14] =	ssyncset.done $0x0  }
0xba: {  	s24 =	simm.s32 $0x4A00;
	v2 =	vor.u32 v2, v3;
	[sflag:s14] =	ssyncadd.s32 $0xFFFFF800  }
0xbb: {  	v2 =	vor.u32 v1, v2;
	v3 =	vld.idx.msk [tilespmem:v10+s24+$0x0], $0xffff;
	_ =	sdelay $0x2  }
0xbc: {  	s19 =	sand.u32 $0x7F, s19  }
0xbd: {  	v12 =	vor.u32 s19, v0;
	s7 =	sadd.s32 $0x6, s17  }
0xbe: {  	v13 =	vmov s7;
	[tilespmem:v2+s15+$0x0] =	vst.idx.msk $0xffff, v3  }
0xbf: {  	v2 =	vshll.u32 v13, $0x3;
	_ =	swait.ge [sflag:s14], $0x800  }
0xc0: {  	v3 =	vand.u32 $0x66, v13;
	v2 =	vand.u32 $0xC00, v2;
	[sflag:s14] =	ssyncset.done $0x0  }
0xc1: {  	s10 =	simm.s32 $0x5200;
	v2 =	vor.u32 v2, v3;
	[sflag:s14] =	ssyncadd.s32 $0xFFFFF800  }
0xc2: {  	v2 =	vor.u32 v1, v2;
	v3 =	vld.idx.msk [tilespmem:v12+s10+$0x0], $0xffff;
	_ =	sdelay $0x2  }
0xc3: {  	s16 =	sand.u32 $0x7F, s16  }
0xc4: {  	v14 =	vor.u32 s16, v0;
	s11 =	sadd.s32 $0x7, s17  }
0xc5: {  	v15 =	vmov s11;
	[tilespmem:v2+s15+$0x0] =	vst.idx.msk $0xffff, v3  }
0xc6: {  	v2 =	vshll.u32 v15, $0x3;
	_ =	swait.ge [sflag:s14], $0x800  }
0xc7: {  	v3 =	vand.u32 $0x67, v15;
	v2 =	vand.u32 $0xC00, v2;
	[sflag:s14] =	ssyncset.done $0x0  }
0xc8: {  	s19 =	simm.s32 $0x5A00;
	v2 =	vor.u32 v2, v3;
	[sflag:s14] =	ssyncadd.s32 $0xFFFFF800  }
0xc9: {  	v2 =	vor.u32 v1, v2;
	v3 =	vld.idx.msk [tilespmem:v14+s19+$0x0], $0xffff;
	_ =	sdelay $0x2  }
0xca: {  	s0 =	sand.u32 $0x7F, s0  }
0xcb: {  	s21 =	sadd.s32 $0x8, s17;
	v16 =	vor.u32 s0, v0  }
0xcc: {  	v17 =	vmov s21;
	[tilespmem:v2+s15+$0x0] =	vst.idx.msk $0xffff, v3  }
0xcd: {  	v2 =	vshll.u32 v17, $0x3;
	_ =	swait.ge [sflag:s14], $0x800  }
0xce: {  	v3 =	vand.u32 $0x68, v17;
	v2 =	vand.u32 $0xC00, v2;
	[sflag:s14] =	ssyncset.done $0x0  }
0xcf: {  	s22 =	simm.s32 $0x6200;
	v2 =	vor.u32 v2, v3;
	[sflag:s14] =	ssyncadd.s32 $0xFFFFF800  }
0xd0: {  	v2 =	vor.u32 v1, v2;
	v3 =	vld.idx.msk [tilespmem:v16+s22+$0x0], $0xffff;
	_ =	sdelay $0x2  }
0xd1: {  	s23 =	sand.u32 $0x7F, s13  }
0xd2: {  	v18 =	vor.u32 s23, v0;
	s24 =	sadd.s32 $0x9, s17  }
0xd3: {  	v19 =	vmov s24;
	[tilespmem:v2+s15+$0x0] =	vst.idx.msk $0xffff, v3  }
0xd4: {  	v2 =	vshll.u32 v19, $0x3;
	_ =	swait.ge [sflag:s14], $0x800  }
0xd5: {  	v3 =	vand.u32 $0x69, v19;
	v2 =	vand.u32 $0xC00, v2;
	[sflag:s14] =	ssyncset.done $0x0  }
0xd6: {  	s20 =	simm.s32 $0x6A00;
	v2 =	vor.u32 v2, v3;
	[sflag:s14] =	ssyncadd.s32 $0xFFFFF800  }
0xd7: {  	v2 =	vor.u32 v1, v2;
	v3 =	vld.idx.msk [tilespmem:v18+s20+$0x0], $0xffff;
	_ =	sdelay $0x2  }
0xd8: {  	s10 =	sand.u32 $0x7F, s12  }
0xd9: {  	s11 =	sadd.s32 $0xA, s17;
	v20 =	vor.u32 s10, v0  }
0xda: {  	v21 =	vmov s11;
	[tilespmem:v2+s15+$0x0] =	vst.idx.msk $0xffff, v3  }
0xdb: {  	v2 =	vshll.u32 v21, $0x3;
	_ =	swait.ge [sflag:s14], $0x800  }
0xdc: {  	v3 =	vand.u32 $0x6A, v21;
	v2 =	vand.u32 $0xC00, v2;
	[sflag:s14] =	ssyncset.done $0x0  }
0xdd: {  	s7 =	simm.s32 $0x7200;
	v2 =	vor.u32 v2, v3;
	[sflag:s14] =	ssyncadd.s32 $0xFFFFF800  }
0xde: {  	v2 =	vor.u32 v1, v2;
	v3 =	vld.idx.msk [tilespmem:v20+s7+$0x0], $0xffff;
	_ =	sdelay $0x2  }
0xdf: {  	s20 =	sand.u32 $0x7F, s3  }
0xe0: {  	s21 =	sadd.s32 $0xB, s17;
	v22 =	vor.u32 s20, v0  }
0xe1: {  	v23 =	vmov s21;
	[tilespmem:v2+s15+$0x0] =	vst.idx.msk $0xffff, v3  }
0xe2: {  	v2 =	vshll.u32 v23, $0x3;
	_ =	swait.ge [sflag:s14], $0x800  }
0xe3: {  	v3 =	vand.u32 $0x6B, v23;
	v2 =	vand.u32 $0xC00, v2;
	[sflag:s14] =	ssyncset.done $0x0  }
0xe4: {  	s19 =	simm.s32 $0x7A00;
	v2 =	vor.u32 v2, v3;
	[sflag:s14] =	ssyncadd.s32 $0xFFFFF800  }
0xe5: {  	v2 =	vor.u32 v1, v2;
	v3 =	vld.idx.msk [tilespmem:v22+s19+$0x0], $0xffff;
	_ =	sdelay $0x2  }
0xe6: {  	s23 =	sand.u32 $0x7F, s4  }
0xe7: {  	v24 =	vor.u32 s23, v0;
	s24 =	sadd.s32 $0xC, s17  }
0xe8: {  	v25 =	vmov s24;
	[tilespmem:v2+s15+$0x0] =	vst.idx.msk $0xffff, v3  }
0xe9: {  	v2 =	vshll.u32 v25, $0x3;
	_ =	swait.ge [sflag:s14], $0x800  }
0xea: {  	v3 =	vand.u32 $0x6C, v25;
	v2 =	vand.u32 $0xC00, v2;
	[sflag:s14] =	ssyncset.done $0x0  }
0xeb: {  	s22 =	simm.s32 $0x8200;
	v2 =	vor.u32 v2, v3;
	[sflag:s14] =	ssyncadd.s32 $0xFFFFF800  }
0xec: {  	v2 =	vor.u32 v1, v2;
	v3 =	vld.idx.msk [tilespmem:v24+s22+$0x0], $0xffff;
	_ =	sdelay $0x2  }
0xed: {  	s4 =	sand.u32 $0x7F, s5  }
0xee: {  	s5 =	sadd.s32 $0xD, s17;
	v26 =	vor.u32 s4, v0  }
0xef: {  	v27 =	vmov s5;
	[tilespmem:v2+s15+$0x0] =	vst.idx.msk $0xffff, v3  }
0xf0: {  	v2 =	vshll.u32 v27, $0x3;
	_ =	swait.ge [sflag:s14], $0x800  }
0xf1: {  	v3 =	vand.u32 $0x6D, v27;
	v2 =	vand.u32 $0xC00, v2;
	[sflag:s14] =	ssyncset.done $0x0  }
0xf2: {  	s3 =	simm.s32 $0x8A00;
	v2 =	vor.u32 v2, v3;
	[sflag:s14] =	ssyncadd.s32 $0xFFFFF800  }
0xf3: {  	v2 =	vor.u32 v1, v2;
	v3 =	vld.idx.msk [tilespmem:v26+s3+$0x0], $0xffff;
	_ =	sdelay $0x2  }
0xf4: {  	s20 =	sand.u32 $0x7F, s6  }
0xf5: {  	s21 =	sadd.s32 $0xE, s17;
	v28 =	vor.u32 s20, v0  }
0xf6: {  	v29 =	vmov s21;
	[tilespmem:v2+s15+$0x0] =	vst.idx.msk $0xffff, v3  }
0xf7: {  	v2 =	vshll.u32 v29, $0x3;
	_ =	swait.ge [sflag:s14], $0x800  }
0xf8: {  	v3 =	vand.u32 $0x6E, v29;
	v2 =	vand.u32 $0xC00, v2;
	[sflag:s14] =	ssyncset.done $0x0  }
0xf9: {  	s19 =	simm.s32 $0x9200;
	v2 =	vor.u32 v2, v3;
	[sflag:s14] =	ssyncadd.s32 $0xFFFFF800  }
0xfa: {  	v2 =	vor.u32 v1, v2;
	v3 =	vld.idx.msk [tilespmem:v28+s19+$0x0], $0xffff;
	_ =	sdelay $0x1  }
0xfb: {  	s23 =	rddreg [dreg:$0x14]  }
0xfc: {  	s0 =	sand.u32 $0x7F, s23  }
0xfd: {  	s24 =	sadd.s32 $0xF, s17;
	v30 =	vor.u32 s0, v0  }
0xfe: {  	v31 =	vmov s24;
	[tilespmem:v2+s15+$0x0] =	vst.idx.msk $0xffff, v3  }
0xff: {  	v2 =	vshll.u32 v31, $0x3;
	_ =	swait.ge [sflag:s14], $0x800  }
0x100: {  	v3 =	vand.u32 $0x6F, v31;
	v2 =	vand.u32 $0xC00, v2;
	[sflag:s14] =	ssyncset.done $0x0  }
0x101: {  	s22 =	simm.s32 $0x9A00;
	v2 =	vor.u32 v2, v3;
	[sflag:s14] =	ssyncadd.s32 $0xFFFFF800  }
0x102: {  	v2 =	vor.u32 v1, v2;
	v3 =	vld.idx.msk [tilespmem:v30+s22+$0x0], $0xffff;
	_ =	sdelay $0x1  }
0x103: {  	s19 =	rddreg [dreg:$0x13]  }
0x104: {  	s0 =	sand.u32 $0x7F, s19  }
0x105: {  	s20 =	rddreg [dreg:$0xe];
	v32 =	vor.u32 s0, v0  }
0x106: {  	v33 =	vmov s20;
	[tilespmem:v2+s15+$0x0] =	vst.idx.msk $0xffff, v3  }
0x107: {  	v2 =	vshll.u32 v33, $0x3;
	_ =	swait.ge [sflag:s14], $0x800  }
0x108: {  	v3 =	vand.u32 $0x70, v33;
	v2 =	vand.u32 $0xC00, v2;
	[sflag:s14] =	ssyncset.done $0x0  }
0x109: {  	s3 =	simm.s32 $0xA200;
	v2 =	vor.u32 v2, v3;
	[sflag:s14] =	ssyncadd.s32 $0xFFFFF800  }
0x10a: {  	v2 =	vor.u32 v1, v2;
	v3 =	vld.idx.msk [tilespmem:v32+s3+$0x0], $0xffff;
	_ =	sdelay $0x2  }
0x10b: {  	s22 =	sand.u32 $0x7F, s30  }
0x10c: {  	s23 =	sadd.s32 $0x11, s17;
	v34 =	vor.u32 s22, v0  }
0x10d: {  	v35 =	vmov s23;
	[tilespmem:v2+s15+$0x0] =	vst.idx.msk $0xffff, v3  }
0x10e: {  	v2 =	vshll.u32 v35, $0x3;
	_ =	swait.ge [sflag:s14], $0x800  }
0x10f: {  	v3 =	vand.u32 $0x71, v35;
	v2 =	vand.u32 $0xC00, v2;
	[sflag:s14] =	ssyncset.done $0x0  }
0x110: {  	s21 =	simm.s32 $0xAA00;
	v2 =	vor.u32 v2, v3;
	[sflag:s14] =	ssyncadd.s32 $0xFFFFF800  }
0x111: {  	v2 =	vor.u32 v1, v2;
	v3 =	vld.idx.msk [tilespmem:v34+s21+$0x0], $0xffff;
	_ =	sdelay $0x2  }
0x112: {  	s2 =	sand.u32 $0x7F, s2  }
0x113: {  	v36 =	vor.u32 s2, v0;
	s19 =	sadd.s32 $0x12, s17  }
0x114: {  	v37 =	vmov s19;
	[tilespmem:v2+s15+$0x0] =	vst.idx.msk $0xffff, v3  }
0x115: {  	v2 =	vshll.u32 v37, $0x3;
	_ =	swait.ge [sflag:s14], $0x800  }
0x116: {  	v3 =	vand.u32 $0x72, v37;
	v2 =	vand.u32 $0xC00, v2;
	[sflag:s14] =	ssyncset.done $0x0  }
0x117: {  	s30 =	simm.s32 $0xB200;
	v2 =	vor.u32 v2, v3;
	[sflag:s14] =	ssyncadd.s32 $0xFFFFF800  }
0x118: {  	v2 =	vor.u32 v1, v2;
	v3 =	vld.idx.msk [tilespmem:v36+s30+$0x0], $0xffff;
	_ =	sdelay $0x2  }
0x119: {  	s20 =	sand.u32 $0x7F, s18  }
0x11a: {  	v38 =	vor.u32 s20, v0;
	s21 =	sadd.s32 $0x13, s17  }
0x11b: {  	v39 =	vmov s21;
	[tilespmem:v2+s15+$0x0] =	vst.idx.msk $0xffff, v3  }
0x11c: {  	v2 =	vshll.u32 v39, $0x3;
	_ =	swait.ge [sflag:s14], $0x800  }
0x11d: {  	v3 =	vand.u32 $0x73, v39;
	v2 =	vand.u32 $0xC00, v2;
	[sflag:s14] =	ssyncset.done $0x0  }
0x11e: {  	s24 =	simm.s32 $0xBA00;
	v2 =	vor.u32 v2, v3;
	[sflag:s14] =	ssyncadd.s32 $0xFFFFF800  }
0x11f: {  	v2 =	vor.u32 v1, v2;
	v3 =	vld.idx.msk [tilespmem:v38+s24+$0x0], $0xffff;
	_ =	sdelay $0x2  }
0x120: {  	s30 =	sand.u32 $0x7F, s31  }
0x121: {  	s31 =	sadd.s32 $0x14, s17;
	v40 =	vor.u32 s30, v0  }
0x122: {  	v41 =	vmov s31;
	[tilespmem:v2+s15+$0x0] =	vst.idx.msk $0xffff, v3  }
0x123: {  	v2 =	vshll.u32 v41, $0x3;
	_ =	swait.ge [sflag:s14], $0x800  }
0x124: {  	v3 =	vand.u32 $0x74, v41;
	v2 =	vand.u32 $0xC00, v2;
	[sflag:s14] =	ssyncset.done $0x0  }
0x125: {  	s24 =	simm.s32 $0xC200;
	v2 =	vor.u32 v2, v3;
	[sflag:s14] =	ssyncadd.s32 $0xFFFFF800  }
0x126: {  	v2 =	vor.u32 v1, v2;
	v3 =	vld.idx.msk [tilespmem:v40+s24+$0x0], $0xffff;
	_ =	sdelay $0x1  }
0x127: {  	s18 =	rddreg [dreg:$0x12]  }
0x128: {  	s0 =	sand.u32 $0x7F, s18  }
0x129: {  	s19 =	sadd.s32 $0x15, s17;
	v42 =	vor.u32 s0, v0  }
0x12a: {  	v43 =	vmov s19;
	[tilespmem:v2+s15+$0x0] =	vst.idx.msk $0xffff, v3  }
0x12b: {  	v2 =	vshll.u32 v43, $0x3;
	_ =	swait.ge [sflag:s14], $0x800  }
0x12c: {  	v3 =	vand.u32 $0x75, v43;
	v2 =	vand.u32 $0xC00, v2;
	[sflag:s14] =	ssyncset.done $0x0  }
0x12d: {  	s23 =	simm.s32 $0xCA00;
	v2 =	vor.u32 v2, v3;
	[sflag:s14] =	ssyncadd.s32 $0xFFFFF800  }
0x12e: {  	v2 =	vor.u32 v1, v2;
	v3 =	vld.idx.msk [tilespmem:v42+s23+$0x0], $0xffff;
	_ =	sdelay $0x1  }
0x12f: {  	s20 =	rddreg [dreg:$0x11]  }
0x130: {  	s0 =	sand.u32 $0x7F, s20  }
0x131: {  	s21 =	sadd.s32 $0x16, s17;
	v44 =	vor.u32 s0, v0  }
0x132: {  	v45 =	vmov s21;
	[tilespmem:v2+s15+$0x0] =	vst.idx.msk $0xffff, v3  }
0x133: {  	v2 =	vshll.u32 v45, $0x3;
	_ =	swait.ge [sflag:s14], $0x800  }
0x134: {  	v3 =	vand.u32 $0x76, v45;
	v2 =	vand.u32 $0xC00, v2;
	[sflag:s14] =	ssyncset.done $0x0  }
0x135: {  	s22 =	simm.s32 $0xD200;
	v2 =	vor.u32 v2, v3;
	[sflag:s14] =	ssyncadd.s32 $0xFFFFF800  }
0x136: {  	v2 =	vor.u32 v1, v2;
	v3 =	vld.idx.msk [tilespmem:v44+s22+$0x0], $0xffff;
	_ =	sdelay $0x2  }
0x137: {  	s30 =	sand.u32 $0x7F, s28  }
0x138: {  	s31 =	sadd.s32 $0x17, s17;
	v46 =	vor.u32 s30, v0  }
0x139: {  	v47 =	vmov s31;
	[tilespmem:v2+s15+$0x0] =	vst.idx.msk $0xffff, v3  }
0x13a: {  	v2 =	vshll.u32 v47, $0x3;
	_ =	swait.ge [sflag:s14], $0x800  }
0x13b: {  	v3 =	vand.u32 $0x77, v47;
	v2 =	vand.u32 $0xC00, v2;
	[sflag:s14] =	ssyncset.done $0x0  }
0x13c: {  	s24 =	simm.s32 $0xDA00;
	v2 =	vor.u32 v2, v3;
	[sflag:s14] =	ssyncadd.s32 $0xFFFFF800  }
0x13d: {  	v2 =	vor.u32 v1, v2;
	v3 =	vld.idx.msk [tilespmem:v46+s24+$0x0], $0xffff;
	_ =	sdelay $0x1  }
0x13e: {  	s18 =	rddreg [dreg:$0x10]  }
0x13f: {  	s0 =	sand.u32 $0x7F, s18  }
0x140: {  	s19 =	sadd.s32 $0x18, s17;
	v48 =	vor.u32 s0, v0  }
0x141: {  	v49 =	vmov s19;
	[tilespmem:v2+s15+$0x0] =	vst.idx.msk $0xffff, v3  }
0x142: {  	v2 =	vshll.u32 v49, $0x3;
	_ =	swait.ge [sflag:s14], $0x800  }
0x143: {  	v3 =	vand.u32 $0x78, v49;
	v2 =	vand.u32 $0xC00, v2;
	[sflag:s14] =	ssyncset.done $0x0  }
0x144: {  	s23 =	simm.s32 $0xE200;
	v2 =	vor.u32 v2, v3;
	[sflag:s14] =	ssyncadd.s32 $0xFFFFF800  }
0x145: {  	v2 =	vor.u32 v1, v2;
	v3 =	vld.idx.msk [tilespmem:v48+s23+$0x0], $0xffff;
	_ =	sdelay $0x1  }
0x146: {  	s20 =	rddreg [dreg:$0xf]  }
0x147: {  	s0 =	sand.u32 $0x7F, s20  }
0x148: {  	s21 =	sadd.s32 $0x19, s17;
	v50 =	vor.u32 s0, v0  }
0x149: {  	v51 =	vmov s21;
	[tilespmem:v2+s15+$0x0] =	vst.idx.msk $0xffff, v3  }
0x14a: {  	v2 =	vshll.u32 v51, $0x3;
	_ =	swait.ge [sflag:s14], $0x800  }
0x14b: {  	v3 =	vand.u32 $0x79, v51;
	v2 =	vand.u32 $0xC00, v2;
	[sflag:s14] =	ssyncset.done $0x0  }
0x14c: {  	s22 =	simm.s32 $0xEA00;
	v2 =	vor.u32 v2, v3;
	[sflag:s14] =	ssyncadd.s32 $0xFFFFF800  }
0x14d: {  	v2 =	vor.u32 v1, v2;
	v3 =	vld.idx.msk [tilespmem:v50+s22+$0x0], $0xffff;
	_ =	sdelay $0x1  }
0x14e: {  	s28 =	rddreg [dreg:$0xd]  }
0x14f: {  	s0 =	sand.u32 $0x7F, s28  }
0x150: {  	s30 =	sadd.s32 $0x1A, s17;
	v52 =	vor.u32 s0, v0  }
0x151: {  	v53 =	vmov s30;
	[tilespmem:v2+s15+$0x0] =	vst.idx.msk $0xffff, v3  }
0x152: {  	v2 =	vshll.u32 v53, $0x3;
	_ =	swait.ge [sflag:s14], $0x800  }
0x153: {  	v3 =	vand.u32 $0x7A, v53;
	v2 =	vand.u32 $0xC00, v2;
	[sflag:s14] =	ssyncset.done $0x0  }
0x154: {  	s24 =	simm.s32 $0xF200;
	v2 =	vor.u32 v2, v3;
	[sflag:s14] =	ssyncadd.s32 $0xFFFFF800  }
0x155: {  	v2 =	vor.u32 v1, v2;
	v3 =	vld.idx.msk [tilespmem:v52+s24+$0x0], $0xffff;
	_ =	sdelay $0x1  }
0x156: {  	s31 =	rddreg [dreg:$0xc]  }
0x157: {  	s0 =	sand.u32 $0x7F, s31  }
0x158: {  	s2 =	sadd.s32 $0x1B, s17;
	v54 =	vor.u32 s0, v0  }
0x159: {  	v55 =	vmov s2;
	[tilespmem:v2+s15+$0x0] =	vst.idx.msk $0xffff, v3  }
0x15a: {  	v2 =	vshll.u32 v55, $0x3;
	_ =	swait.ge [sflag:s14], $0x800  }
0x15b: {  	v3 =	vand.u32 $0x7B, v55;
	v2 =	vand.u32 $0xC00, v2;
	[sflag:s14] =	ssyncset.done $0x0  }
0x15c: {  	s23 =	simm.s32 $0xFA00;
	v2 =	vor.u32 v2, v3;
	[sflag:s14] =	ssyncadd.s32 $0xFFFFF800  }
0x15d: {  	v2 =	vor.u32 v1, v2;
	v3 =	vld.idx.msk [tilespmem:v54+s23+$0x0], $0xffff;
	_ =	sdelay $0x1  }
0x15e: {  	s18 =	rddreg [dreg:$0xb]  }
0x15f: {  	s0 =	sand.u32 $0x7F, s18  }
0x160: {  	s19 =	sadd.s32 $0x1C, s17;
	v56 =	vor.u32 s0, v0  }
0x161: {  	v57 =	vmov s19;
	[tilespmem:v2+s15+$0x0] =	vst.idx.msk $0xffff, v3  }
0x162: {  	v2 =	vshll.u32 v57, $0x3;
	_ =	swait.ge [sflag:s14], $0x800  }
0x163: {  	v3 =	vand.u32 $0x7C, v57;
	v2 =	vand.u32 $0xC00, v2;
	[sflag:s14] =	ssyncset.done $0x0  }
0x164: {  	s22 =	simm.s32 $0x10200;
	v2 =	vor.u32 v2, v3;
	[sflag:s14] =	ssyncadd.s32 $0xFFFFF800  }
0x165: {  	v2 =	vor.u32 v1, v2;
	v3 =	vld.idx.msk [tilespmem:v56+s22+$0x0], $0xffff;
	_ =	sdelay $0x1  }
0x166: {  	s22 =	rddreg [dreg:$0xa]  }
0x167: {  	s0 =	sand.u32 $0x7F, s22  }
0x168: {  	s23 =	sadd.s32 $0x1D, s17;
	v58 =	vor.u32 s0, v0  }
0x169: {  	v59 =	vmov s23;
	[tilespmem:v2+s15+$0x0] =	vst.idx.msk $0xffff, v3  }
0x16a: {  	v2 =	vshll.u32 v59, $0x3;
	_ =	swait.ge [sflag:s14], $0x800  }
0x16b: {  	v3 =	vand.u32 $0x7D, v59;
	v2 =	vand.u32 $0xC00, v2;
	[sflag:s14] =	ssyncset.done $0x0  }
0x16c: {  	s21 =	simm.s32 $0x10A00;
	v2 =	vor.u32 v2, v3;
	[sflag:s14] =	ssyncadd.s32 $0xFFFFF800  }
0x16d: {  	v2 =	vor.u32 v1, v2;
	v3 =	vld.idx.msk [tilespmem:v58+s21+$0x0], $0xffff;
	_ =	sdelay $0x1  }
0x16e: {  	s24 =	rddreg [dreg:$0x9]  }
0x16f: {  	s0 =	sand.u32 $0x7F, s24  }
0x170: {  	s28 =	sadd.s32 $0x1E, s17;
	v60 =	vor.u32 s0, v0  }
0x171: {  	v61 =	vmov s28;
	[tilespmem:v2+s15+$0x0] =	vst.idx.msk $0xffff, v3  }
0x172: {  	v2 =	vshll.u32 v61, $0x3;
	_ =	swait.ge [sflag:s14], $0x800  }
0x173: {  	v3 =	vand.u32 $0x7E, v61;
	v2 =	vand.u32 $0xC00, v2;
	[sflag:s14] =	ssyncset.done $0x0  }
0x174: {  	s20 =	simm.s32 $0x11200;
	v2 =	vor.u32 v2, v3;
	[sflag:s14] =	ssyncadd.s32 $0xFFFFF800  }
0x175: {  	v2 =	vor.u32 v1, v2;
	v3 =	vld.idx.msk [tilespmem:v60+s20+$0x0], $0xffff;
	_ =	sdelay $0x1  }
0x176: {  	s30 =	rddreg [dreg:$0x8]  }
0x177: {  	s0 =	sand.u32 $0x7F, s30  }
0x178: {  	s31 =	sadd.s32 $0x1F, s17;
	v62 =	vor.u32 s0, v0  }
0x179: {  	v63 =	vmov s31;
	[tilespmem:v2+s15+$0x0] =	vst.idx.msk $0xffff, v3  }
0x17a: {  	v2 =	vshll.u32 v63, $0x3;
	_ =	swait.ge [sflag:s14], $0x800  }
0x17b: {  	v3 =	vand.u32 $0x7F, v63;
	v2 =	vand.u32 $0xC00, v2;
	[sflag:s14] =	ssyncset.done $0x0  }
0x17c: {  	s25 =	simm.s32 $0x11A00;
	v2 =	vor.u32 v2, v3;
	[sflag:s14] =	ssyncadd.s32 $0xFFFFF800  }
0x17d: {  	p0 =	sne.s32 s17, $0x1E0;
	v2 =	vor.u32 v1, v2;
	v3 =	vld.idx.msk [tilespmem:v62+s25+$0x0], $0xffff  }
.Ltmp0:
0x17e: {  	_ = 	snop;
	(pc) =	sbr.rel @p0 .LBB2_2-.Ltmp0, $4  }
0x17f: {  	s29 =	sadd.s32 $0x80, s29  }
0x180: {  	s13 =	simm.s32 $0x6200;
	s5 =	simm.s32 $0x3200;
	s4 =	simm.s32 $0x2A00  }
0x181: {  	s11 =	simm.s32 $0x5200;
	s12 =	simm.s32 $0x5A00;
	s10 =	simm.s32 $0x4A00  }
0x182: {  	s6 =	simm.s32 $0x3A00;
	s7 =	simm.s32 $0x4200;
	s17 =	sadd.s32 $0x20, s17;
	[tilespmem:v2+s15+$0x0] =	vst.idx.msk $0xffff, v3  }
0x183: {  	s0 =	rddreg [dreg:$0x5];
	s2 =	simm.s32 $0x1000;
	s3 =	simm.s32 $0x20000  }
0x184: {  	[hbm4b:s0+s2] =	stream.strided.scatter [tilespmem:s15], [sflag:$0x2], $0x2000, s3, s2, $0x38;
	[tilespmem:$0x12200] =	vst v63  }
0x185: {  	s3 =	simm.s32 $0x2  }
0x186: {  	_ =	swait.ge [sflag:s3], $0x2000  }
0x187: {  	s30 =	rddreg [dreg:$0x7]  }
0x188: {  	s31 =	rddreg [dreg:$0x6];
	s2 =	sadd.s32 $0x1, s30  }
0x189: {  	p0 =	sne.s32 s2, s31  }
.Ltmp1:
0x18a: {  	_ = 	snop;
	(pc) =	sbr.rel @p0 .LBB2_1-.Ltmp1, $3  }
0x18b: {  	_ =	sdelay $0x1  }
0x18c: {  	[sflag:s3] =	ssyncset.done $0x0  }
0x18d: {  	[sflag:s3] =	ssyncadd.s32 $0xFFFFE000  }
0x18e: {  	_ =	sfence.sel $0x180000  }
0x18f: {  	[bflag:$0x0] =	sbarrier.arrive $0xFFFF  }
0x190: {  	_ =	strace $0x90000047  }
0x191: {  	s0 =	stileid.u32;
	[bflag:$0x2] =	sbarrier.arrive $0xFFFF  }
0x192: {  	p0 =	sne.s32 s0, $0x0;
	s0 =	rddreg [dreg:$0x3]  }
0x193: {  	s0 =	sadd.s32 @!p0 $0x100000, s0  }
0x194: {  	[sflag:s0] =	ssyncadd.tile.s32 @!p0 $0x1;
	_ =	shalt  }
.Lfunc_end2:
_tile_overlayer_lowered:
.L_overlay_start_2:
0x195: {  	(tag) =	ssettag $0x2  }
0x196: {  	s0 =	rddreg [dreg:$0x0];
	s2 =	stileid.u32  }
0x197: {  	s1 =	rddreg [dreg:$0x1];
	p0 =	sne.s32 s2, $0x0  }
0x198: {  	s3 =	rddreg [dreg:$0x2];
	[bflag:$0x3] =	sbarrier.arrive $0xFFFF;
	s2 =	simm.s32 @!p0 $0x1C02  }
0x199: {  	[timem:s3], [sflag:s2] =	dma.local @!p0 [hbm:s0], s1  }
0x19a: {  	s0 =	simm.s32 @!p0 $0x2  }
0x19b: {  	_ =	swait.ge @!p0 [sflag:s0], s1  }
0x19c: {  	s1 =	ssub.s32 @!p0 $0x0, s1;
	[sflag:s0] =	ssyncset.done @!p0 $0x0  }
0x19d: {  	[sflag:s0] =	ssyncadd.s32 @!p0 s1  }
0x19e: {  	[bflag:$0x3] =	sbarrier.arrive $0xFFFF  }
0x19f: {  	_ =	shalt  }

</sc_bundles>
